<compile_context>
chip_gen: v7x
topology: tpu7x:2x2x1
jax: 0.10.2.dev20260603
libtpu: 0.0.44.dev20260713+nightly
codegen_flags: <defaults>
</compile_context>

<pallas_src>
import functools

import jax
import jax.numpy as jnp
from jax import lax
from jax.experimental import pallas as pl
from jax.experimental.pallas import tpu as pltpu
from jax.experimental.pallas import tpu_sc as plsc

N = 10000
E = 320000
D = 128
NC = 2
NS = 16
NW = NC * NS
B = 128
EPT = E // NW
NBS = 80
NBG = NBS + 2
EPAD = NBG * B
NPAD = 10240
NPT = NPAD // NS

_mesh = plsc.VectorSubcoreMesh(core_axis_name="c", subcore_axis_name="s")


@functools.partial(
    pl.kernel,
    mesh=_mesh,
    out_type=jax.ShapeDtypeStruct((NC, NPAD, D), jnp.float32),
    scratch_types=[
        pltpu.VMEM((NBS, B), jnp.int32),
        pltpu.VMEM((B, D), jnp.float32),
        pltpu.VMEM_SHARED((NPAD, D), jnp.float32),
        pltpu.SemaphoreType.DMA,
        pltpu.SemaphoreType.DMA,
    ],
)
def _sc_degree(dst_hbm, deg_out, dstall, buf, deg_sh, sema, semb):
    c = lax.axis_index("c")
    s = lax.axis_index("s")
    one16 = jnp.ones((16,), jnp.float32)
    zero16 = jnp.zeros((16,), jnp.float32)

    def fill_zero(i, carry):
        for k in range(D // 16):
            buf[i, pl.ds(k * 16, 16)] = zero16
        return carry

    lax.fori_loop(0, B, fill_zero, 0)
    for r in range(NPT // B):
        pltpu.sync_copy(buf, deg_sh.at[pl.ds(s * NPT + r * B, B)])

    def fill_one(i, carry):
        for k in range(D // 16):
            buf[i, pl.ds(k * 16, 16)] = one16
        return carry

    lax.fori_loop(0, B, fill_one, 0)
    pltpu.sync_copy(dst_hbm.at[c, s, pl.ds(0, NBS)], dstall)
    plsc.subcore_barrier()

    pltpu.async_copy(buf, deg_sh.at[dstall.at[0]], sema, add=True)
    pltpu.async_copy(buf, deg_sh.at[dstall.at[1]], semb, add=True)

    def blk2(k, carry):
        t0 = 2 * k
        pltpu.make_async_copy(buf, deg_sh.at[dstall.at[t0 - 2]], sema).wait()
        pltpu.async_copy(buf, deg_sh.at[dstall.at[t0]], sema, add=True)
        pltpu.make_async_copy(buf, deg_sh.at[dstall.at[t0 - 1]], semb).wait()
        pltpu.async_copy(buf, deg_sh.at[dstall.at[t0 + 1]], semb, add=True)
        return carry

    lax.fori_loop(1, NBS // 2, blk2, 0)
    pltpu.make_async_copy(buf, deg_sh.at[dstall.at[NBS - 2]], sema).wait()
    pltpu.make_async_copy(buf, deg_sh.at[dstall.at[NBS - 1]], semb).wait()

    plsc.subcore_barrier()
    pltpu.sync_copy(deg_sh.at[pl.ds(s * NPT, NPT)],
                    deg_out.at[c, pl.ds(s * NPT, NPT)])


@functools.partial(
    pl.kernel,
    mesh=_mesh,
    out_type=jax.ShapeDtypeStruct((NC, NPAD, D), jnp.float32),
    scratch_types=[
        pltpu.VMEM((NBG, B), jnp.int32),
        pltpu.VMEM((B,), jnp.int32),
        pltpu.VMEM((B,), jnp.int32),
        pltpu.VMEM((B, D), jnp.float32),
        pltpu.VMEM((B, D), jnp.float32),
        pltpu.VMEM_SHARED((NPAD, D), jnp.float32),
        pltpu.SemaphoreType.DMA,
        pltpu.SemaphoreType.DMA,
        pltpu.SemaphoreType.DMA,
        pltpu.SemaphoreType.DMA,
    ],
)
def _sc_aggregate(ht_hbm, src_hbm, dst_hbm, acc_out, srcall, didx0, didx1,
                  rows0, rows1, acc_sh, semg0, semg1, semd0, semd1):
    c = lax.axis_index("c")
    s = lax.axis_index("s")
    zero16 = jnp.zeros((16,), jnp.float32)

    def zrow(i, carry):
        for k in range(D // 16):
            rows0[i, pl.ds(k * 16, 16)] = zero16
        return carry

    lax.fori_loop(0, B, zrow, 0)
    for r in range(NPT // B):
        pltpu.sync_copy(rows0, acc_sh.at[pl.ds(s * NPT + r * B, B)])
    pltpu.sync_copy(src_hbm.at[c, s], srcall)
    plsc.subcore_barrier()

    pltpu.async_copy(dst_hbm.at[c, s, 0], didx0, semd0)
    pltpu.async_copy(ht_hbm.at[srcall.at[0]], rows0, semg0)
    pltpu.async_copy(ht_hbm.at[srcall.at[1]], rows1, semg1)

    def blk2(k, carry):
        t0 = 2 * k
        t1 = t0 + 1
        pltpu.async_copy(dst_hbm.at[c, s, t1], didx1, semd1)
        pltpu.make_async_copy(ht_hbm.at[srcall.at[t0]], rows0, semg0).wait()
        pltpu.make_async_copy(dst_hbm.at[c, s, t0], didx0, semd0).wait()
        pltpu.sync_copy(rows0, acc_sh.at[didx0], add=True)
        pltpu.async_copy(ht_hbm.at[srcall.at[t0 + 2]], rows0, semg0)
        pltpu.async_copy(dst_hbm.at[c, s, t1 + 1], didx0, semd0)
        pltpu.make_async_copy(ht_hbm.at[srcall.at[t1]], rows1, semg1).wait()
        pltpu.make_async_copy(dst_hbm.at[c, s, t1], didx1, semd1).wait()
        pltpu.sync_copy(rows1, acc_sh.at[didx1], add=True)
        pltpu.async_copy(ht_hbm.at[srcall.at[t1 + 2]], rows1, semg1)
        return carry

    lax.fori_loop(0, NBS // 2, blk2, 0)

    pltpu.make_async_copy(ht_hbm.at[srcall.at[NBS]], rows0, semg0).wait()
    pltpu.make_async_copy(ht_hbm.at[srcall.at[NBS + 1]], rows1, semg1).wait()
    pltpu.make_async_copy(dst_hbm.at[c, s, NBS], didx0, semd0).wait()

    plsc.subcore_barrier()
    pltpu.sync_copy(acc_sh.at[pl.ds(s * NPT, NPT)],
                    acc_out.at[c, pl.ds(s * NPT, NPT)])


M_BLK = 1000
GRID = N // M_BLK


def _dinv_block(deg):
    return lax.rsqrt(deg[0, :, 0:1] + deg[1, :, 0:1] + 1.0)


def _tc_scale_mm(deg_ref, x_ref, w_ref, out_ref):
    dinv = _dinv_block(deg_ref[...])
    h = jnp.dot(x_ref[...], w_ref[...], preferred_element_type=jnp.float32)
    out_ref[...] = h * dinv


def _tc_layer_mm(deg_ref, acc_ref, ht_ref, b_ref, w_ref, out_ref):
    dinv = _dinv_block(deg_ref[...])
    a = acc_ref[...]
    pre = dinv * (a[0] + a[1] + ht_ref[...]) + b_ref[...]
    z = jnp.maximum(pre, 0.0)
    h = jnp.dot(z, w_ref[...], preferred_element_type=jnp.float32)
    out_ref[...] = h * dinv


def _tc_final(deg_ref, acc_ref, ht_ref, b_ref, out_ref):
    dinv = _dinv_block(deg_ref[...])
    a = acc_ref[...]
    out_ref[...] = dinv * (a[0] + a[1] + ht_ref[...]) + b_ref[...]


def _acc_spec():
    return pl.BlockSpec((2, M_BLK, D), lambda i: (0, i, 0))


def _row_spec():
    return pl.BlockSpec((M_BLK, D), lambda i: (i, 0))


def _full_spec(r):
    return pl.BlockSpec((r, D), lambda i: (0, 0))


def _pad_edges(idx, pad_vals):
    per_tile = idx.reshape(NW, EPT)
    pads = jnp.broadcast_to(pad_vals[None, :], (NW, EPAD - EPT))
    return jnp.concatenate([per_tile, pads], axis=1).reshape(NC, NS, NBG, B)


def kernel(x, edge_index, W1, b1, W2, b2):
    ei = edge_index.astype(jnp.int32)
    npad = EPAD - EPT
    dst_pad = N + (jnp.arange(npad, dtype=jnp.int32) % (NPAD - N))
    src_pad = (jnp.arange(npad, dtype=jnp.int32) * 41) % N
    src = _pad_edges(ei[0], src_pad)
    dst = _pad_edges(ei[1], dst_pad)
    b1r = b1.reshape(1, D)
    b2r = b2.reshape(1, D)

    degT = _sc_degree(dst)

    ht1 = pl.pallas_call(
        _tc_scale_mm,
        grid=(GRID,),
        in_specs=[_acc_spec(), _row_spec(), _full_spec(D)],
        out_specs=_row_spec(),
        out_shape=jax.ShapeDtypeStruct((N, D), jnp.float32),
    )(degT, x, W1)

    acc1 = _sc_aggregate(ht1, src, dst)

    ht2 = pl.pallas_call(
        _tc_layer_mm,
        grid=(GRID,),
        in_specs=[_acc_spec(), _acc_spec(), _row_spec(), _full_spec(1),
                  _full_spec(D)],
        out_specs=_row_spec(),
        out_shape=jax.ShapeDtypeStruct((N, D), jnp.float32),
    )(degT, acc1, ht1, b1r, W2)

    acc2 = _sc_aggregate(ht2, src, dst)

    out = pl.pallas_call(
        _tc_final,
        grid=(GRID,),
        in_specs=[_acc_spec(), _acc_spec(), _row_spec(), _full_spec(1)],
        out_specs=_row_spec(),
        out_shape=jax.ShapeDtypeStruct((N, D), jnp.float32),
    )(degT, acc2, ht2, b2r)

    return out

# --- scband reference (transcript-rebuilt; emitter-appended) ---
"""Pipeline reference for scband-bi-gcn-a-53996328845503 (READ-ONLY COPY).

The authoritative reference and input builder live on the scoring server;
editing this copy changes nothing except your own understanding.
"""

import jax, jax.numpy as jnp
import numpy as np

N = 10000
E = 320000
D_IN = 128
D_HID = 128
D_OUT = 128


def setup_inputs(seed: int = 0) -> dict:
    key = jax.random.key(seed)
    ks = jax.random.split(key, 4)
    x = jax.random.normal(ks[0], (N, D_IN), dtype=jnp.float32)
    edge_index = jax.random.randint(ks[1], (2, E), 0, N)
    W1 = jax.random.normal(ks[2], (D_IN, D_HID), dtype=jnp.float32) * (1.0 / np.sqrt(D_IN))
    b1 = jnp.zeros((D_HID,), dtype=jnp.float32)
    W2 = jax.random.normal(ks[3], (D_HID, D_OUT), dtype=jnp.float32) * (1.0 / np.sqrt(D_HID))
    b2 = jnp.zeros((D_OUT,), dtype=jnp.float32)
    return {"x": x, "edge_index": edge_index, "W1": W1, "b1": b1, "W2": W2, "b2": b2}


def _gcn_conv(x, edge_index, W, b):
    # PyG GCNConv with default add_self_loops=True and symmetric normalization:
    # out = D^{-1/2} (A + I) D^{-1/2} (X W) + b
    n = x.shape[0]
    loop = jnp.arange(n, dtype=edge_index.dtype)
    src = jnp.concatenate([edge_index[0], loop])
    dst = jnp.concatenate([edge_index[1], loop])
    deg = jnp.zeros((n,), dtype=x.dtype).at[dst].add(1.0)
    dinv = jnp.where(deg > 0, 1.0 / jnp.sqrt(jnp.maximum(deg, 1e-12)), 0.0)
    norm = dinv[src] * dinv[dst]
    h = x @ W
    msg = jnp.take(h, src, axis=0) * norm[:, None]
    out = jnp.zeros((n, W.shape[1]), dtype=x.dtype).at[dst].add(msg)
    return out + b


def reference(x, edge_index, W1, b1, W2, b2):
    h = jax.nn.relu(_gcn_conv(x, edge_index, W1, b1))
    # dropout is identity at inference (training=False)
    return _gcn_conv(h, edge_index, W2, b2)

if __name__ == "__main__":
    import jax
    _d = setup_inputs()
    print(jax.jit(kernel)(*tuple(_d.values())))

</pallas_src>

<mosaic_0001>
#map = affine_map<(d0, d1) -> (0, 0, 0, 0)>
#map1 = affine_map<(d0, d1) -> (0, 0, 0)>
module attributes {stable_mosaic.version = 14 : i64} {
  func.func @_sc_degree(%arg0: i32, %arg1: i32, %arg2: memref<2x16x82x128xi32, #tpu.memory_space<hbm>>, %arg3: memref<2x10240x128xf32, #tpu.memory_space<hbm>>, %arg4: memref<80x128xi32, #tpu.memory_space<vmem>>, %arg5: memref<128x128xf32, #tpu.memory_space<vmem>>, %arg6: memref<10240x128xf32, #tpu.memory_space<vmem_shared>>, %arg7: memref<!tpu.dma_semaphore, #tpu.memory_space<semaphore_mem>>, %arg8: memref<!tpu.dma_semaphore, #tpu.memory_space<semaphore_mem>>) attributes {dimension_semantics = [#tpu.dimension_semantics<core_parallel>, #tpu.dimension_semantics<subcore_parallel>], iteration_bounds = array<i64: 2, 16>, scalar_prefetch = 0 : i64, scratch_operands = 5 : i64, tpu.core_type = #tpu.core_type<sc_vector_subcore>, window_params = [{transform_indices = #map}, {transform_indices = #map1}]} {
    %broadcast_in_dim3A = arith.constant 1.000000e+00 : f32
    %broadcast_in_dim3A_0 = vector.broadcast %broadcast_in_dim3A : f32 to vector<16xf32>
    %broadcast_in_dim3A_1 = arith.constant 0.000000e+00 : f32
    %broadcast_in_dim3A_2 = vector.broadcast %broadcast_in_dim3A_1 : f32 to vector<16xf32>
    %scan3A = arith.constant 0 : i32
    %scan3A_3 = arith.constant 0 : i32
    %scan3A_4 = arith.constant 128 : i32
    %scan3A_5 = arith.addi %scan3A_3, %scan3A_4 : i32
    %scan3A_6 = arith.constant 1 : i32
    scf.for %scan3A_69 = %scan3A_3 to %scan3A_5 step %scan3A_6  : i32 {
      %swap3A = arith.index_cast %scan3A_69 : i32 to index
      %swap3A_70 = arith.constant 0 : index
      %swap3A_71 = tpu.vector_load %arg5[%swap3A, %swap3A_70] {strides = array<i32>} : memref<128x128xf32, #tpu.memory_space<vmem>>, vector<1x16xf32>,
      %swap3A_72 = vector.shape_cast %swap3A_71 : vector<1x16xf32> to vector<16xf32>
      %swap3A_73 = vector.shape_cast %broadcast_in_dim3A_2 : vector<16xf32> to vector<1x16xf32>
      tpu.vector_store %arg5[%swap3A, %swap3A_70], %swap3A_73 {strides = array<i32>} : memref<128x128xf32, #tpu.memory_space<vmem>>, vector<1x16xf32>,
      %swap3A_74 = arith.index_cast %scan3A_69 : i32 to index
      %swap3A_75 = arith.constant 16 : index
      %swap3A_76 = tpu.vector_load %arg5[%swap3A_74, %swap3A_75] {strides = array<i32>} : memref<128x128xf32, #tpu.memory_space<vmem>>, vector<1x16xf32>,
      %swap3A_77 = vector.shape_cast %swap3A_76 : vector<1x16xf32> to vector<16xf32>
      %swap3A_78 = vector.shape_cast %broadcast_in_dim3A_2 : vector<16xf32> to vector<1x16xf32>
      tpu.vector_store %arg5[%swap3A_74, %swap3A_75], %swap3A_78 {strides = array<i32>} : memref<128x128xf32, #tpu.memory_space<vmem>>, vector<1x16xf32>,
      %swap3A_79 = arith.index_cast %scan3A_69 : i32 to index
      %swap3A_80 = arith.constant 32 : index
      %swap3A_81 = tpu.vector_load %arg5[%swap3A_79, %swap3A_80] {strides = array<i32>} : memref<128x128xf32, #tpu.memory_space<vmem>>, vector<1x16xf32>,
      %swap3A_82 = vector.shape_cast %swap3A_81 : vector<1x16xf32> to vector<16xf32>
      %swap3A_83 = vector.shape_cast %broadcast_in_dim3A_2 : vector<16xf32> to vector<1x16xf32>
      tpu.vector_store %arg5[%swap3A_79, %swap3A_80], %swap3A_83 {strides = array<i32>} : memref<128x128xf32, #tpu.memory_space<vmem>>, vector<1x16xf32>,
      %swap3A_84 = arith.index_cast %scan3A_69 : i32 to index
      %swap3A_85 = arith.constant 48 : index
      %swap3A_86 = tpu.vector_load %arg5[%swap3A_84, %swap3A_85] {strides = array<i32>} : memref<128x128xf32, #tpu.memory_space<vmem>>, vector<1x16xf32>,
      %swap3A_87 = vector.shape_cast %swap3A_86 : vector<1x16xf32> to vector<16xf32>
      %swap3A_88 = vector.shape_cast %broadcast_in_dim3A_2 : vector<16xf32> to vector<1x16xf32>
      tpu.vector_store %arg5[%swap3A_84, %swap3A_85], %swap3A_88 {strides = array<i32>} : memref<128x128xf32, #tpu.memory_space<vmem>>, vector<1x16xf32>,
      %swap3A_89 = arith.index_cast %scan3A_69 : i32 to index
      %swap3A_90 = arith.constant 64 : index
      %swap3A_91 = tpu.vector_load %arg5[%swap3A_89, %swap3A_90] {strides = array<i32>} : memref<128x128xf32, #tpu.memory_space<vmem>>, vector<1x16xf32>,
      %swap3A_92 = vector.shape_cast %swap3A_91 : vector<1x16xf32> to vector<16xf32>
      %swap3A_93 = vector.shape_cast %broadcast_in_dim3A_2 : vector<16xf32> to vector<1x16xf32>
      tpu.vector_store %arg5[%swap3A_89, %swap3A_90], %swap3A_93 {strides = array<i32>} : memref<128x128xf32, #tpu.memory_space<vmem>>, vector<1x16xf32>,
      %swap3A_94 = arith.index_cast %scan3A_69 : i32 to index
      %swap3A_95 = arith.constant 80 : index
      %swap3A_96 = tpu.vector_load %arg5[%swap3A_94, %swap3A_95] {strides = array<i32>} : memref<128x128xf32, #tpu.memory_space<vmem>>, vector<1x16xf32>,
      %swap3A_97 = vector.shape_cast %swap3A_96 : vector<1x16xf32> to vector<16xf32>
      %swap3A_98 = vector.shape_cast %broadcast_in_dim3A_2 : vector<16xf32> to vector<1x16xf32>
      tpu.vector_store %arg5[%swap3A_94, %swap3A_95], %swap3A_98 {strides = array<i32>} : memref<128x128xf32, #tpu.memory_space<vmem>>, vector<1x16xf32>,
      %swap3A_99 = arith.index_cast %scan3A_69 : i32 to index
      %swap3A_100 = arith.constant 96 : index
      %swap3A_101 = tpu.vector_load %arg5[%swap3A_99, %swap3A_100] {strides = array<i32>} : memref<128x128xf32, #tpu.memory_space<vmem>>, vector<1x16xf32>,
      %swap3A_102 = vector.shape_cast %swap3A_101 : vector<1x16xf32> to vector<16xf32>
      %swap3A_103 = vector.shape_cast %broadcast_in_dim3A_2 : vector<16xf32> to vector<1x16xf32>
      tpu.vector_store %arg5[%swap3A_99, %swap3A_100], %swap3A_103 {strides = array<i32>} : memref<128x128xf32, #tpu.memory_space<vmem>>, vector<1x16xf32>,
      %swap3A_104 = arith.index_cast %scan3A_69 : i32 to index
      %swap3A_105 = arith.constant 112 : index
      %swap3A_106 = tpu.vector_load %arg5[%swap3A_104, %swap3A_105] {strides = array<i32>} : memref<128x128xf32, #tpu.memory_space<vmem>>, vector<1x16xf32>,
      %swap3A_107 = vector.shape_cast %swap3A_106 : vector<1x16xf32> to vector<16xf32>
      %swap3A_108 = vector.shape_cast %broadcast_in_dim3A_2 : vector<16xf32> to vector<1x16xf32>
      tpu.vector_store %arg5[%swap3A_104, %swap3A_105], %swap3A_108 {strides = array<i32>} : memref<128x128xf32, #tpu.memory_space<vmem>>, vector<1x16xf32>,
    }
    %scan3A_7 = arith.constant 128 : i32
    %mul3A = arith.constant 640 : i32
    %mul3A_8 = arith.muli %arg1, %mul3A : i32
    %add3A = arith.constant 0 : i32
    %add3A_9 = arith.addi %mul3A_8, %add3A : i32
    "tpu.region"() ({
      %run_scoped3A = tpu.sem_alloc : memref<!tpu.dma_semaphore, #tpu.memory_space<semaphore_mem>>
      %dma_start3A_69 = arith.constant 0 : i32
      %dma_start3A_70 = tpu.memref_slice %arg6[%add3A_9, %dma_start3A_69] : memref<10240x128xf32, #tpu.memory_space<vmem_shared>> -> memref<128x128xf32, #tpu.memory_space<vmem_shared>>
      %dma_start3A_71 = arith.constant 0 : i32
      %dma_start3A_72 = tpu.memref_slice %arg6[%add3A_9, %dma_start3A_71] : memref<10240x128xf32, #tpu.memory_space<vmem_shared>> -> memref<128x128xf32, #tpu.memory_space<vmem_shared>>
      tpu.enqueue_dma source(%arg5 : memref<128x128xf32, #tpu.memory_space<vmem>>) target(%dma_start3A_72 : memref<128x128xf32, #tpu.memory_space<vmem_shared>>) target_semaphore(%run_scoped3A : memref<!tpu.dma_semaphore, #tpu.memory_space<semaphore_mem>>)
      %dma_wait3A_73 = arith.constant 0 : i32
      %dma_wait3A_74 = tpu.memref_slice %arg6[%add3A_9, %dma_wait3A_73] : memref<10240x128xf32, #tpu.memory_space<vmem_shared>> -> memref<128x128xf32, #tpu.memory_space<vmem_shared>>
      %dma_wait3A_75 = arith.constant 0 : i32
      %dma_wait3A_76 = tpu.memref_slice %arg6[%add3A_9, %dma_wait3A_75] : memref<10240x128xf32, #tpu.memory_space<vmem_shared>> -> memref<128x128xf32, #tpu.memory_space<vmem_shared>>
      tpu.wait_dma2 semaphore(%run_scoped3A : memref<!tpu.dma_semaphore, #tpu.memory_space<semaphore_mem>>) src(%arg5 : memref<128x128xf32, #tpu.memory_space<vmem>>) dst(%dma_wait3A_76 : memref<128x128xf32, #tpu.memory_space<vmem_shared>>)
      tpu.yield
    }) : () -> ()
    %mul3A_10 = arith.constant 640 : i32
    %mul3A_11 = arith.muli %arg1, %mul3A_10 : i32
    %add3A_12 = arith.constant 128 : i32
    %add3A_13 = arith.addi %mul3A_11, %add3A_12 : i32
    "tpu.region"() ({
      %run_scoped3A = tpu.sem_alloc : memref<!tpu.dma_semaphore, #tpu.memory_space<semaphore_mem>>
      %dma_start3A_69 = arith.constant 0 : i32
      %dma_start3A_70 = tpu.memref_slice %arg6[%add3A_13, %dma_start3A_69] : memref<10240x128xf32, #tpu.memory_space<vmem_shared>> -> memref<128x128xf32, #tpu.memory_space<vmem_shared>>
      %dma_start3A_71 = arith.constant 0 : i32
      %dma_start3A_72 = tpu.memref_slice %arg6[%add3A_13, %dma_start3A_71] : memref<10240x128xf32, #tpu.memory_space<vmem_shared>> -> memref<128x128xf32, #tpu.memory_space<vmem_shared>>
      tpu.enqueue_dma source(%arg5 : memref<128x128xf32, #tpu.memory_space<vmem>>) target(%dma_start3A_72 : memref<128x128xf32, #tpu.memory_space<vmem_shared>>) target_semaphore(%run_scoped3A : memref<!tpu.dma_semaphore, #tpu.memory_space<semaphore_mem>>)
      %dma_wait3A_73 = arith.constant 0 : i32
      %dma_wait3A_74 = tpu.memref_slice %arg6[%add3A_13, %dma_wait3A_73] : memref<10240x128xf32, #tpu.memory_space<vmem_shared>> -> memref<128x128xf32, #tpu.memory_space<vmem_shared>>
      %dma_wait3A_75 = arith.constant 0 : i32
      %dma_wait3A_76 = tpu.memref_slice %arg6[%add3A_13, %dma_wait3A_75] : memref<10240x128xf32, #tpu.memory_space<vmem_shared>> -> memref<128x128xf32, #tpu.memory_space<vmem_shared>>
      tpu.wait_dma2 semaphore(%run_scoped3A : memref<!tpu.dma_semaphore, #tpu.memory_space<semaphore_mem>>) src(%arg5 : memref<128x128xf32, #tpu.memory_space<vmem>>) dst(%dma_wait3A_76 : memref<128x128xf32, #tpu.memory_space<vmem_shared>>)
      tpu.yield
    }) : () -> ()
    %mul3A_14 = arith.constant 640 : i32
    %mul3A_15 = arith.muli %arg1, %mul3A_14 : i32
    %add3A_16 = arith.constant 256 : i32
    %add3A_17 = arith.addi %mul3A_15, %add3A_16 : i32
    "tpu.region"() ({
      %run_scoped3A = tpu.sem_alloc : memref<!tpu.dma_semaphore, #tpu.memory_space<semaphore_mem>>
      %dma_start3A_69 = arith.constant 0 : i32
      %dma_start3A_70 = tpu.memref_slice %arg6[%add3A_17, %dma_start3A_69] : memref<10240x128xf32, #tpu.memory_space<vmem_shared>> -> memref<128x128xf32, #tpu.memory_space<vmem_shared>>
      %dma_start3A_71 = arith.constant 0 : i32
      %dma_start3A_72 = tpu.memref_slice %arg6[%add3A_17, %dma_start3A_71] : memref<10240x128xf32, #tpu.memory_space<vmem_shared>> -> memref<128x128xf32, #tpu.memory_space<vmem_shared>>
      tpu.enqueue_dma source(%arg5 : memref<128x128xf32, #tpu.memory_space<vmem>>) target(%dma_start3A_72 : memref<128x128xf32, #tpu.memory_space<vmem_shared>>) target_semaphore(%run_scoped3A : memref<!tpu.dma_semaphore, #tpu.memory_space<semaphore_mem>>)
      %dma_wait3A_73 = arith.constant 0 : i32
      %dma_wait3A_74 = tpu.memref_slice %arg6[%add3A_17, %dma_wait3A_73] : memref<10240x128xf32, #tpu.memory_space<vmem_shared>> -> memref<128x128xf32, #tpu.memory_space<vmem_shared>>
      %dma_wait3A_75 = arith.constant 0 : i32
      %dma_wait3A_76 = tpu.memref_slice %arg6[%add3A_17, %dma_wait3A_75] : memref<10240x128xf32, #tpu.memory_space<vmem_shared>> -> memref<128x128xf32, #tpu.memory_space<vmem_shared>>
      tpu.wait_dma2 semaphore(%run_scoped3A : memref<!tpu.dma_semaphore, #tpu.memory_space<semaphore_mem>>) src(%arg5 : memref<128x128xf32, #tpu.memory_space<vmem>>) dst(%dma_wait3A_76 : memref<128x128xf32, #tpu.memory_space<vmem_shared>>)
      tpu.yield
    }) : () -> ()
    %mul3A_18 = arith.constant 640 : i32
    %mul3A_19 = arith.muli %arg1, %mul3A_18 : i32
    %add3A_20 = arith.constant 384 : i32
    %add3A_21 = arith.addi %mul3A_19, %add3A_20 : i32
    "tpu.region"() ({
      %run_scoped3A = tpu.sem_alloc : memref<!tpu.dma_semaphore, #tpu.memory_space<semaphore_mem>>
      %dma_start3A_69 = arith.constant 0 : i32
      %dma_start3A_70 = tpu.memref_slice %arg6[%add3A_21, %dma_start3A_69] : memref<10240x128xf32, #tpu.memory_space<vmem_shared>> -> memref<128x128xf32, #tpu.memory_space<vmem_shared>>
      %dma_start3A_71 = arith.constant 0 : i32
      %dma_start3A_72 = tpu.memref_slice %arg6[%add3A_21, %dma_start3A_71] : memref<10240x128xf32, #tpu.memory_space<vmem_shared>> -> memref<128x128xf32, #tpu.memory_space<vmem_shared>>
      tpu.enqueue_dma source(%arg5 : memref<128x128xf32, #tpu.memory_space<vmem>>) target(%dma_start3A_72 : memref<128x128xf32, #tpu.memory_space<vmem_shared>>) target_semaphore(%run_scoped3A : memref<!tpu.dma_semaphore, #tpu.memory_space<semaphore_mem>>)
      %dma_wait3A_73 = arith.constant 0 : i32
      %dma_wait3A_74 = tpu.memref_slice %arg6[%add3A_21, %dma_wait3A_73] : memref<10240x128xf32, #tpu.memory_space<vmem_shared>> -> memref<128x128xf32, #tpu.memory_space<vmem_shared>>
      %dma_wait3A_75 = arith.constant 0 : i32
      %dma_wait3A_76 = tpu.memref_slice %arg6[%add3A_21, %dma_wait3A_75] : memref<10240x128xf32, #tpu.memory_space<vmem_shared>> -> memref<128x128xf32, #tpu.memory_space<vmem_shared>>
      tpu.wait_dma2 semaphore(%run_scoped3A : memref<!tpu.dma_semaphore, #tpu.memory_space<semaphore_mem>>) src(%arg5 : memref<128x128xf32, #tpu.memory_space<vmem>>) dst(%dma_wait3A_76 : memref<128x128xf32, #tpu.memory_space<vmem_shared>>)
      tpu.yield
    }) : () -> ()
    %mul3A_22 = arith.constant 640 : i32
    %mul3A_23 = arith.muli %arg1, %mul3A_22 : i32
    %add3A_24 = arith.constant 512 : i32
    %add3A_25 = arith.addi %mul3A_23, %add3A_24 : i32
    "tpu.region"() ({
      %run_scoped3A = tpu.sem_alloc : memref<!tpu.dma_semaphore, #tpu.memory_space<semaphore_mem>>
      %dma_start3A_69 = arith.constant 0 : i32
      %dma_start3A_70 = tpu.memref_slice %arg6[%add3A_25, %dma_start3A_69] : memref<10240x128xf32, #tpu.memory_space<vmem_shared>> -> memref<128x128xf32, #tpu.memory_space<vmem_shared>>
      %dma_start3A_71 = arith.constant 0 : i32
      %dma_start3A_72 = tpu.memref_slice %arg6[%add3A_25, %dma_start3A_71] : memref<10240x128xf32, #tpu.memory_space<vmem_shared>> -> memref<128x128xf32, #tpu.memory_space<vmem_shared>>
      tpu.enqueue_dma source(%arg5 : memref<128x128xf32, #tpu.memory_space<vmem>>) target(%dma_start3A_72 : memref<128x128xf32, #tpu.memory_space<vmem_shared>>) target_semaphore(%run_scoped3A : memref<!tpu.dma_semaphore, #tpu.memory_space<semaphore_mem>>)
      %dma_wait3A_73 = arith.constant 0 : i32
      %dma_wait3A_74 = tpu.memref_slice %arg6[%add3A_25, %dma_wait3A_73] : memref<10240x128xf32, #tpu.memory_space<vmem_shared>> -> memref<128x128xf32, #tpu.memory_space<vmem_shared>>
      %dma_wait3A_75 = arith.constant 0 : i32
      %dma_wait3A_76 = tpu.memref_slice %arg6[%add3A_25, %dma_wait3A_75] : memref<10240x128xf32, #tpu.memory_space<vmem_shared>> -> memref<128x128xf32, #tpu.memory_space<vmem_shared>>
      tpu.wait_dma2 semaphore(%run_scoped3A : memref<!tpu.dma_semaphore, #tpu.memory_space<semaphore_mem>>) src(%arg5 : memref<128x128xf32, #tpu.memory_space<vmem>>) dst(%dma_wait3A_76 : memref<128x128xf32, #tpu.memory_space<vmem_shared>>)
      tpu.yield
    }) : () -> ()
    %scan3A_26 = arith.constant 0 : i32
    %scan3A_27 = arith.constant 0 : i32
    %scan3A_28 = arith.constant 128 : i32
    %scan3A_29 = arith.addi %scan3A_27, %scan3A_28 : i32
    %scan3A_30 = arith.constant 1 : i32
    scf.for %scan3A_69 = %scan3A_27 to %scan3A_29 step %scan3A_30  : i32 {
      %swap3A = arith.index_cast %scan3A_69 : i32 to index
      %swap3A_70 = arith.constant 0 : index
      %swap3A_71 = tpu.vector_load %arg5[%swap3A, %swap3A_70] {strides = array<i32>} : memref<128x128xf32, #tpu.memory_space<vmem>>, vector<1x16xf32>,
      %swap3A_72 = vector.shape_cast %swap3A_71 : vector<1x16xf32> to vector<16xf32>
      %swap3A_73 = vector.shape_cast %broadcast_in_dim3A_0 : vector<16xf32> to vector<1x16xf32>
      tpu.vector_store %arg5[%swap3A, %swap3A_70], %swap3A_73 {strides = array<i32>} : memref<128x128xf32, #tpu.memory_space<vmem>>, vector<1x16xf32>,
      %swap3A_74 = arith.index_cast %scan3A_69 : i32 to index
      %swap3A_75 = arith.constant 16 : index
      %swap3A_76 = tpu.vector_load %arg5[%swap3A_74, %swap3A_75] {strides = array<i32>} : memref<128x128xf32, #tpu.memory_space<vmem>>, vector<1x16xf32>,
      %swap3A_77 = vector.shape_cast %swap3A_76 : vector<1x16xf32> to vector<16xf32>
      %swap3A_78 = vector.shape_cast %broadcast_in_dim3A_0 : vector<16xf32> to vector<1x16xf32>
      tpu.vector_store %arg5[%swap3A_74, %swap3A_75], %swap3A_78 {strides = array<i32>} : memref<128x128xf32, #tpu.memory_space<vmem>>, vector<1x16xf32>,
      %swap3A_79 = arith.index_cast %scan3A_69 : i32 to index
      %swap3A_80 = arith.constant 32 : index
      %swap3A_81 = tpu.vector_load %arg5[%swap3A_79, %swap3A_80] {strides = array<i32>} : memref<128x128xf32, #tpu.memory_space<vmem>>, vector<1x16xf32>,
      %swap3A_82 = vector.shape_cast %swap3A_81 : vector<1x16xf32> to vector<16xf32>
      %swap3A_83 = vector.shape_cast %broadcast_in_dim3A_0 : vector<16xf32> to vector<1x16xf32>
      tpu.vector_store %arg5[%swap3A_79, %swap3A_80], %swap3A_83 {strides = array<i32>} : memref<128x128xf32, #tpu.memory_space<vmem>>, vector<1x16xf32>,
      %swap3A_84 = arith.index_cast %scan3A_69 : i32 to index
      %swap3A_85 = arith.constant 48 : index
      %swap3A_86 = tpu.vector_load %arg5[%swap3A_84, %swap3A_85] {strides = array<i32>} : memref<128x128xf32, #tpu.memory_space<vmem>>, vector<1x16xf32>,
      %swap3A_87 = vector.shape_cast %swap3A_86 : vector<1x16xf32> to vector<16xf32>
      %swap3A_88 = vector.shape_cast %broadcast_in_dim3A_0 : vector<16xf32> to vector<1x16xf32>
      tpu.vector_store %arg5[%swap3A_84, %swap3A_85], %swap3A_88 {strides = array<i32>} : memref<128x128xf32, #tpu.memory_space<vmem>>, vector<1x16xf32>,
      %swap3A_89 = arith.index_cast %scan3A_69 : i32 to index
      %swap3A_90 = arith.constant 64 : index
      %swap3A_91 = tpu.vector_load %arg5[%swap3A_89, %swap3A_90] {strides = array<i32>} : memref<128x128xf32, #tpu.memory_space<vmem>>, vector<1x16xf32>,
      %swap3A_92 = vector.shape_cast %swap3A_91 : vector<1x16xf32> to vector<16xf32>
      %swap3A_93 = vector.shape_cast %broadcast_in_dim3A_0 : vector<16xf32> to vector<1x16xf32>
      tpu.vector_store %arg5[%swap3A_89, %swap3A_90], %swap3A_93 {strides = array<i32>} : memref<128x128xf32, #tpu.memory_space<vmem>>, vector<1x16xf32>,
      %swap3A_94 = arith.index_cast %scan3A_69 : i32 to index
      %swap3A_95 = arith.constant 80 : index
      %swap3A_96 = tpu.vector_load %arg5[%swap3A_94, %swap3A_95] {strides = array<i32>} : memref<128x128xf32, #tpu.memory_space<vmem>>, vector<1x16xf32>,
      %swap3A_97 = vector.shape_cast %swap3A_96 : vector<1x16xf32> to vector<16xf32>
      %swap3A_98 = vector.shape_cast %broadcast_in_dim3A_0 : vector<16xf32> to vector<1x16xf32>
      tpu.vector_store %arg5[%swap3A_94, %swap3A_95], %swap3A_98 {strides = array<i32>} : memref<128x128xf32, #tpu.memory_space<vmem>>, vector<1x16xf32>,
      %swap3A_99 = arith.index_cast %scan3A_69 : i32 to index
      %swap3A_100 = arith.constant 96 : index
      %swap3A_101 = tpu.vector_load %arg5[%swap3A_99, %swap3A_100] {strides = array<i32>} : memref<128x128xf32, #tpu.memory_space<vmem>>, vector<1x16xf32>,
      %swap3A_102 = vector.shape_cast %swap3A_101 : vector<1x16xf32> to vector<16xf32>
      %swap3A_103 = vector.shape_cast %broadcast_in_dim3A_0 : vector<16xf32> to vector<1x16xf32>
      tpu.vector_store %arg5[%swap3A_99, %swap3A_100], %swap3A_103 {strides = array<i32>} : memref<128x128xf32, #tpu.memory_space<vmem>>, vector<1x16xf32>,
      %swap3A_104 = arith.index_cast %scan3A_69 : i32 to index
      %swap3A_105 = arith.constant 112 : index
      %swap3A_106 = tpu.vector_load %arg5[%swap3A_104, %swap3A_105] {strides = array<i32>} : memref<128x128xf32, #tpu.memory_space<vmem>>, vector<1x16xf32>,
      %swap3A_107 = vector.shape_cast %swap3A_106 : vector<1x16xf32> to vector<16xf32>
      %swap3A_108 = vector.shape_cast %broadcast_in_dim3A_0 : vector<16xf32> to vector<1x16xf32>
      tpu.vector_store %arg5[%swap3A_104, %swap3A_105], %swap3A_108 {strides = array<i32>} : memref<128x128xf32, #tpu.memory_space<vmem>>, vector<1x16xf32>,
    }
    %scan3A_31 = arith.constant 128 : i32
    "tpu.region"() ({
      %run_scoped3A = tpu.sem_alloc : memref<!tpu.dma_semaphore, #tpu.memory_space<semaphore_mem>>
      %dma_start3A_69 = arith.constant 0 : i32
      %dma_start3A_70 = arith.constant 0 : i32
      %dma_start3A_71 = tpu.memref_slice %arg2[%arg0, %arg1, %dma_start3A_69, %dma_start3A_70] : memref<2x16x82x128xi32, #tpu.memory_space<hbm>> -> memref<1x1x80x128xi32, #tpu.memory_space<hbm>>
      %dma_start3A_72 = tpu.memref_squeeze %dma_start3A_71 : memref<1x1x80x128xi32, #tpu.memory_space<hbm>> -> memref<80x128xi32, #tpu.memory_space<hbm>>
      %dma_start3A_73 = arith.constant 0 : i32
      %dma_start3A_74 = arith.constant 0 : i32
      %dma_start3A_75 = tpu.memref_slice %arg2[%arg0, %arg1, %dma_start3A_73, %dma_start3A_74] : memref<2x16x82x128xi32, #tpu.memory_space<hbm>> -> memref<1x1x80x128xi32, #tpu.memory_space<hbm>>
      %dma_start3A_76 = tpu.memref_squeeze %dma_start3A_75 : memref<1x1x80x128xi32, #tpu.memory_space<hbm>> -> memref<80x128xi32, #tpu.memory_space<hbm>>
      tpu.enqueue_dma source(%dma_start3A_76 : memref<80x128xi32, #tpu.memory_space<hbm>>) target(%arg4 : memref<80x128xi32, #tpu.memory_space<vmem>>) target_semaphore(%run_scoped3A : memref<!tpu.dma_semaphore, #tpu.memory_space<semaphore_mem>>)
      %dma_wait3A_77 = arith.constant 0 : i32
      %dma_wait3A_78 = arith.constant 0 : i32
      %dma_wait3A_79 = tpu.memref_slice %arg2[%arg0, %arg1, %dma_wait3A_77, %dma_wait3A_78] : memref<2x16x82x128xi32, #tpu.memory_space<hbm>> -> memref<1x1x80x128xi32, #tpu.memory_space<hbm>>
      %dma_wait3A_80 = tpu.memref_squeeze %dma_wait3A_79 : memref<1x1x80x128xi32, #tpu.memory_space<hbm>> -> memref<80x128xi32, #tpu.memory_space<hbm>>
      %dma_wait3A_81 = arith.constant 0 : i32
      %dma_wait3A_82 = arith.constant 0 : i32
      %dma_wait3A_83 = tpu.memref_slice %arg2[%arg0, %arg1, %dma_wait3A_81, %dma_wait3A_82] : memref<2x16x82x128xi32, #tpu.memory_space<hbm>> -> memref<1x1x80x128xi32, #tpu.memory_space<hbm>>
      %dma_wait3A_84 = tpu.memref_squeeze %dma_wait3A_83 : memref<1x1x80x128xi32, #tpu.memory_space<hbm>> -> memref<80x128xi32, #tpu.memory_space<hbm>>
      tpu.wait_dma2 semaphore(%run_scoped3A : memref<!tpu.dma_semaphore, #tpu.memory_space<semaphore_mem>>) src(%dma_wait3A_84 : memref<80x128xi32, #tpu.memory_space<hbm>>) dst(%arg4 : memref<80x128xi32, #tpu.memory_space<vmem>>)
      tpu.yield
    }) : () -> ()
    %barrier3A = arith.constant 0 : index
    tpu.barrier barrier_id(%barrier3A)
    %dma_start3A = arith.constant 0 : i32
    %dma_start3A_32 = arith.constant 0 : i32
    %dma_start3A_33 = tpu.memref_slice %arg4[%dma_start3A, %dma_start3A_32] : memref<80x128xi32, #tpu.memory_space<vmem>> -> memref<1x128xi32, #tpu.memory_space<vmem>>
    %dma_start3A_34 = tpu.memref_squeeze %dma_start3A_33 : memref<1x128xi32, #tpu.memory_space<vmem>> -> memref<128xi32, #tpu.memory_space<vmem>>
    %dma_start3A_35 = arith.constant 0 : i32
    %dma_start3A_36 = arith.constant 0 : i32
    %dma_start3A_37 = tpu.memref_slice %arg6[%dma_start3A_35, %dma_start3A_36] : memref<10240x128xf32, #tpu.memory_space<vmem_shared>> -> memref<10240x128xf32, #tpu.memory_space<vmem_shared>>
    tpu.enqueue_indirect_dma source(%arg5 : memref<128x128xf32, #tpu.memory_space<vmem>>) target(%dma_start3A_37 : memref<10240x128xf32, #tpu.memory_space<vmem_shared>>) offsets(%dma_start3A_34 : memref<128xi32, #tpu.memory_space<vmem>>) semaphore(%arg7 : memref<!tpu.dma_semaphore, #tpu.memory_space<semaphore_mem>>) {add = true}
    %dma_start3A_38 = arith.constant 1 : i32
    %dma_start3A_39 = arith.constant 0 : i32
    %dma_start3A_40 = tpu.memref_slice %arg4[%dma_start3A_38, %dma_start3A_39] : memref<80x128xi32, #tpu.memory_space<vmem>> -> memref<1x128xi32, #tpu.memory_space<vmem>>
    %dma_start3A_41 = tpu.memref_squeeze %dma_start3A_40 : memref<1x128xi32, #tpu.memory_space<vmem>> -> memref<128xi32, #tpu.memory_space<vmem>>
    %dma_start3A_42 = arith.constant 0 : i32
    %dma_start3A_43 = arith.constant 0 : i32
    %dma_start3A_44 = tpu.memref_slice %arg6[%dma_start3A_42, %dma_start3A_43] : memref<10240x128xf32, #tpu.memory_space<vmem_shared>> -> memref<10240x128xf32, #tpu.memory_space<vmem_shared>>
    tpu.enqueue_indirect_dma source(%arg5 : memref<128x128xf32, #tpu.memory_space<vmem>>) target(%dma_start3A_44 : memref<10240x128xf32, #tpu.memory_space<vmem_shared>>) offsets(%dma_start3A_41 : memref<128xi32, #tpu.memory_space<vmem>>) semaphore(%arg8 : memref<!tpu.dma_semaphore, #tpu.memory_space<semaphore_mem>>) {add = true}
    %scan3A_45 = arith.constant 0 : i32
    %scan3A_46 = arith.constant 1 : i32
    %scan3A_47 = arith.constant 39 : i32
    %scan3A_48 = arith.addi %scan3A_46, %scan3A_47 : i32
    %scan3A_49 = arith.constant 1 : i32
    scf.for %scan3A_69 = %scan3A_46 to %scan3A_48 step %scan3A_49  : i32 {
      %mul3A_70 = arith.constant 2 : i32
      %mul3A_71 = arith.muli %mul3A_70, %scan3A_69 : i32
      %sub3A = arith.constant 2 : i32
      %sub3A_72 = arith.subi %mul3A_71, %sub3A : i32
      %dma_wait3A_73 = arith.constant 0 : i32
      %dma_wait3A_74 = tpu.memref_slice %arg4[%sub3A_72, %dma_wait3A_73] : memref<80x128xi32, #tpu.memory_space<vmem>> -> memref<1x128xi32, #tpu.memory_space<vmem>>
      %dma_wait3A_75 = tpu.memref_squeeze %dma_wait3A_74 : memref<1x128xi32, #tpu.memory_space<vmem>> -> memref<128xi32, #tpu.memory_space<vmem>>
      %dma_wait3A_76 = arith.constant 0 : i32
      %dma_wait3A_77 = arith.constant 0 : i32
      %dma_wait3A_78 = tpu.memref_slice %arg6[%dma_wait3A_76, %dma_wait3A_77] : memref<10240x128xf32, #tpu.memory_space<vmem_shared>> -> memref<10240x128xf32, #tpu.memory_space<vmem_shared>>
      tpu.wait_indirect_dma semaphore(%arg7 : memref<!tpu.dma_semaphore, #tpu.memory_space<semaphore_mem>>) src(%arg5 : memref<128x128xf32, #tpu.memory_space<vmem>>) dst(%dma_wait3A_78 : memref<10240x128xf32, #tpu.memory_space<vmem_shared>>)
      %dma_start3A_79 = arith.constant 0 : i32
      %dma_start3A_80 = tpu.memref_slice %arg4[%mul3A_71, %dma_start3A_79] : memref<80x128xi32, #tpu.memory_space<vmem>> -> memref<1x128xi32, #tpu.memory_space<vmem>>
      %dma_start3A_81 = tpu.memref_squeeze %dma_start3A_80 : memref<1x128xi32, #tpu.memory_space<vmem>> -> memref<128xi32, #tpu.memory_space<vmem>>
      %dma_start3A_82 = arith.constant 0 : i32
      %dma_start3A_83 = arith.constant 0 : i32
      %dma_start3A_84 = tpu.memref_slice %arg6[%dma_start3A_82, %dma_start3A_83] : memref<10240x128xf32, #tpu.memory_space<vmem_shared>> -> memref<10240x128xf32, #tpu.memory_space<vmem_shared>>
      tpu.enqueue_indirect_dma source(%arg5 : memref<128x128xf32, #tpu.memory_space<vmem>>) target(%dma_start3A_84 : memref<10240x128xf32, #tpu.memory_space<vmem_shared>>) offsets(%dma_start3A_81 : memref<128xi32, #tpu.memory_space<vmem>>) semaphore(%arg7 : memref<!tpu.dma_semaphore, #tpu.memory_space<semaphore_mem>>) {add = true}
      %sub3A_85 = arith.constant 1 : i32
      %sub3A_86 = arith.subi %mul3A_71, %sub3A_85 : i32
      %dma_wait3A_87 = arith.constant 0 : i32
      %dma_wait3A_88 = tpu.memref_slice %arg4[%sub3A_86, %dma_wait3A_87] : memref<80x128xi32, #tpu.memory_space<vmem>> -> memref<1x128xi32, #tpu.memory_space<vmem>>
      %dma_wait3A_89 = tpu.memref_squeeze %dma_wait3A_88 : memref<1x128xi32, #tpu.memory_space<vmem>> -> memref<128xi32, #tpu.memory_space<vmem>>
      %dma_wait3A_90 = arith.constant 0 : i32
      %dma_wait3A_91 = arith.constant 0 : i32
      %dma_wait3A_92 = tpu.memref_slice %arg6[%dma_wait3A_90, %dma_wait3A_91] : memref<10240x128xf32, #tpu.memory_space<vmem_shared>> -> memref<10240x128xf32, #tpu.memory_space<vmem_shared>>
      tpu.wait_indirect_dma semaphore(%arg8 : memref<!tpu.dma_semaphore, #tpu.memory_space<semaphore_mem>>) src(%arg5 : memref<128x128xf32, #tpu.memory_space<vmem>>) dst(%dma_wait3A_92 : memref<10240x128xf32, #tpu.memory_space<vmem_shared>>)
      %add3A_93 = arith.constant 1 : i32
      %add3A_94 = arith.addi %mul3A_71, %add3A_93 : i32
      %dma_start3A_95 = arith.constant 0 : i32
      %dma_start3A_96 = tpu.memref_slice %arg4[%add3A_94, %dma_start3A_95] : memref<80x128xi32, #tpu.memory_space<vmem>> -> memref<1x128xi32, #tpu.memory_space<vmem>>
      %dma_start3A_97 = tpu.memref_squeeze %dma_start3A_96 : memref<1x128xi32, #tpu.memory_space<vmem>> -> memref<128xi32, #tpu.memory_space<vmem>>
      %dma_start3A_98 = arith.constant 0 : i32
      %dma_start3A_99 = arith.constant 0 : i32
      %dma_start3A_100 = tpu.memref_slice %arg6[%dma_start3A_98, %dma_start3A_99] : memref<10240x128xf32, #tpu.memory_space<vmem_shared>> -> memref<10240x128xf32, #tpu.memory_space<vmem_shared>>
      tpu.enqueue_indirect_dma source(%arg5 : memref<128x128xf32, #tpu.memory_space<vmem>>) target(%dma_start3A_100 : memref<10240x128xf32, #tpu.memory_space<vmem_shared>>) offsets(%dma_start3A_97 : memref<128xi32, #tpu.memory_space<vmem>>) semaphore(%arg8 : memref<!tpu.dma_semaphore, #tpu.memory_space<semaphore_mem>>) {add = true}
    }
    %scan3A_50 = arith.constant 39 : i32
    %dma_wait3A = arith.constant 78 : i32
    %dma_wait3A_51 = arith.constant 0 : i32
    %dma_wait3A_52 = tpu.memref_slice %arg4[%dma_wait3A, %dma_wait3A_51] : memref<80x128xi32, #tpu.memory_space<vmem>> -> memref<1x128xi32, #tpu.memory_space<vmem>>
    %dma_wait3A_53 = tpu.memref_squeeze %dma_wait3A_52 : memref<1x128xi32, #tpu.memory_space<vmem>> -> memref<128xi32, #tpu.memory_space<vmem>>
    %dma_wait3A_54 = arith.constant 0 : i32
    %dma_wait3A_55 = arith.constant 0 : i32
    %dma_wait3A_56 = tpu.memref_slice %arg6[%dma_wait3A_54, %dma_wait3A_55] : memref<10240x128xf32, #tpu.memory_space<vmem_shared>> -> memref<10240x128xf32, #tpu.memory_space<vmem_shared>>
    tpu.wait_indirect_dma semaphore(%arg7 : memref<!tpu.dma_semaphore, #tpu.memory_space<semaphore_mem>>) src(%arg5 : memref<128x128xf32, #tpu.memory_space<vmem>>) dst(%dma_wait3A_56 : memref<10240x128xf32, #tpu.memory_space<vmem_shared>>)
    %dma_wait3A_57 = arith.constant 79 : i32
    %dma_wait3A_58 = arith.constant 0 : i32
    %dma_wait3A_59 = tpu.memref_slice %arg4[%dma_wait3A_57, %dma_wait3A_58] : memref<80x128xi32, #tpu.memory_space<vmem>> -> memref<1x128xi32, #tpu.memory_space<vmem>>
    %dma_wait3A_60 = tpu.memref_squeeze %dma_wait3A_59 : memref<1x128xi32, #tpu.memory_space<vmem>> -> memref<128xi32, #tpu.memory_space<vmem>>
    %dma_wait3A_61 = arith.constant 0 : i32
    %dma_wait3A_62 = arith.constant 0 : i32
    %dma_wait3A_63 = tpu.memref_slice %arg6[%dma_wait3A_61, %dma_wait3A_62] : memref<10240x128xf32, #tpu.memory_space<vmem_shared>> -> memref<10240x128xf32, #tpu.memory_space<vmem_shared>>
    tpu.wait_indirect_dma semaphore(%arg8 : memref<!tpu.dma_semaphore, #tpu.memory_space<semaphore_mem>>) src(%arg5 : memref<128x128xf32, #tpu.memory_space<vmem>>) dst(%dma_wait3A_63 : memref<10240x128xf32, #tpu.memory_space<vmem_shared>>)
    %barrier3A_64 = arith.constant 0 : index
    tpu.barrier barrier_id(%barrier3A_64)
    %mul3A_65 = arith.constant 640 : i32
    %mul3A_66 = arith.muli %arg1, %mul3A_65 : i32
    %mul3A_67 = arith.constant 640 : i32
    %mul3A_68 = arith.muli %arg1, %mul3A_67 : i32
    "tpu.region"() ({
      %run_scoped3A = tpu.sem_alloc : memref<!tpu.dma_semaphore, #tpu.memory_space<semaphore_mem>>
      %dma_start3A_69 = arith.constant 0 : i32
      %dma_start3A_70 = tpu.memref_slice %arg3[%arg0, %mul3A_68, %dma_start3A_69] : memref<2x10240x128xf32, #tpu.memory_space<hbm>> -> memref<1x640x128xf32, #tpu.memory_space<hbm>>
      %dma_start3A_71 = tpu.memref_squeeze %dma_start3A_70 : memref<1x640x128xf32, #tpu.memory_space<hbm>> -> memref<640x128xf32, #tpu.memory_space<hbm>>
      %dma_start3A_72 = arith.constant 0 : i32
      %dma_start3A_73 = tpu.memref_slice %arg6[%mul3A_66, %dma_start3A_72] : memref<10240x128xf32, #tpu.memory_space<vmem_shared>> -> memref<640x128xf32, #tpu.memory_space<vmem_shared>>
      tpu.enqueue_dma source(%dma_start3A_73 : memref<640x128xf32, #tpu.memory_space<vmem_shared>>) target(%dma_start3A_71 : memref<640x128xf32, #tpu.memory_space<hbm>>) target_semaphore(%run_scoped3A : memref<!tpu.dma_semaphore, #tpu.memory_space<semaphore_mem>>)
      %dma_wait3A_74 = arith.constant 0 : i32
      %dma_wait3A_75 = tpu.memref_slice %arg3[%arg0, %mul3A_68, %dma_wait3A_74] : memref<2x10240x128xf32, #tpu.memory_space<hbm>> -> memref<1x640x128xf32, #tpu.memory_space<hbm>>
      %dma_wait3A_76 = tpu.memref_squeeze %dma_wait3A_75 : memref<1x640x128xf32, #tpu.memory_space<hbm>> -> memref<640x128xf32, #tpu.memory_space<hbm>>
      %dma_wait3A_77 = arith.constant 0 : i32
      %dma_wait3A_78 = tpu.memref_slice %arg6[%mul3A_66, %dma_wait3A_77] : memref<10240x128xf32, #tpu.memory_space<vmem_shared>> -> memref<640x128xf32, #tpu.memory_space<vmem_shared>>
      tpu.wait_dma2 semaphore(%run_scoped3A : memref<!tpu.dma_semaphore, #tpu.memory_space<semaphore_mem>>) src(%dma_wait3A_78 : memref<640x128xf32, #tpu.memory_space<vmem_shared>>) dst(%dma_wait3A_76 : memref<640x128xf32, #tpu.memory_space<hbm>>)
      tpu.yield
    }) : () -> ()
    return
  }
}

#map = affine_map<(d0, d1) -> (0, 0)>
#map1 = affine_map<(d0, d1) -> (0, 0, 0, 0)>
#map2 = affine_map<(d0, d1) -> (0, 0, 0)>
module attributes {stable_mosaic.version = 14 : i64} {
  func.func @_sc_aggregate(%arg0: i32, %arg1: i32, %arg2: memref<10000x128xf32, #tpu.memory_space<hbm>>, %arg3: memref<2x16x82x128xi32, #tpu.memory_space<hbm>>, %arg4: memref<2x16x82x128xi32, #tpu.memory_space<hbm>>, %arg5: memref<2x10240x128xf32, #tpu.memory_space<hbm>>, %arg6: memref<82x128xi32, #tpu.memory_space<vmem>>, %arg7: memref<128xi32, #tpu.memory_space<vmem>>, %arg8: memref<128xi32, #tpu.memory_space<vmem>>, %arg9: memref<128x128xf32, #tpu.memory_space<vmem>>, %arg10: memref<128x128xf32, #tpu.memory_space<vmem>>, %arg11: memref<10240x128xf32, #tpu.memory_space<vmem_shared>>, %arg12: memref<!tpu.dma_semaphore, #tpu.memory_space<semaphore_mem>>, %arg13: memref<!tpu.dma_semaphore, #tpu.memory_space<semaphore_mem>>, %arg14: memref<!tpu.dma_semaphore, #tpu.memory_space<semaphore_mem>>, %arg15: memref<!tpu.dma_semaphore, #tpu.memory_space<semaphore_mem>>) attributes {dimension_semantics = [#tpu.dimension_semantics<core_parallel>, #tpu.dimension_semantics<subcore_parallel>], iteration_bounds = array<i64: 2, 16>, scalar_prefetch = 0 : i64, scratch_operands = 10 : i64, tpu.core_type = #tpu.core_type<sc_vector_subcore>, window_params = [{transform_indices = #map}, {transform_indices = #map1}, {transform_indices = #map1}, {transform_indices = #map2}]} {
    %broadcast_in_dim3A = arith.constant 0.000000e+00 : f32
    %broadcast_in_dim3A_0 = vector.broadcast %broadcast_in_dim3A : f32 to vector<16xf32>
    %scan3A = arith.constant 0 : i32
    %scan3A_1 = arith.constant 0 : i32
    %scan3A_2 = arith.constant 128 : i32
    %scan3A_3 = arith.addi %scan3A_1, %scan3A_2 : i32
    %scan3A_4 = arith.constant 1 : i32
    scf.for %scan3A_75 = %scan3A_1 to %scan3A_3 step %scan3A_4  : i32 {
      %swap3A = arith.index_cast %scan3A_75 : i32 to index
      %swap3A_76 = arith.constant 0 : index
      %swap3A_77 = tpu.vector_load %arg9[%swap3A, %swap3A_76] {strides = array<i32>} : memref<128x128xf32, #tpu.memory_space<vmem>>, vector<1x16xf32>,
      %swap3A_78 = vector.shape_cast %swap3A_77 : vector<1x16xf32> to vector<16xf32>
      %swap3A_79 = vector.shape_cast %broadcast_in_dim3A_0 : vector<16xf32> to vector<1x16xf32>
      tpu.vector_store %arg9[%swap3A, %swap3A_76], %swap3A_79 {strides = array<i32>} : memref<128x128xf32, #tpu.memory_space<vmem>>, vector<1x16xf32>,
      %swap3A_80 = arith.index_cast %scan3A_75 : i32 to index
      %swap3A_81 = arith.constant 16 : index
      %swap3A_82 = tpu.vector_load %arg9[%swap3A_80, %swap3A_81] {strides = array<i32>} : memref<128x128xf32, #tpu.memory_space<vmem>>, vector<1x16xf32>,
      %swap3A_83 = vector.shape_cast %swap3A_82 : vector<1x16xf32> to vector<16xf32>
      %swap3A_84 = vector.shape_cast %broadcast_in_dim3A_0 : vector<16xf32> to vector<1x16xf32>
      tpu.vector_store %arg9[%swap3A_80, %swap3A_81], %swap3A_84 {strides = array<i32>} : memref<128x128xf32, #tpu.memory_space<vmem>>, vector<1x16xf32>,
      %swap3A_85 = arith.index_cast %scan3A_75 : i32 to index
      %swap3A_86 = arith.constant 32 : index
      %swap3A_87 = tpu.vector_load %arg9[%swap3A_85, %swap3A_86] {strides = array<i32>} : memref<128x128xf32, #tpu.memory_space<vmem>>, vector<1x16xf32>,
      %swap3A_88 = vector.shape_cast %swap3A_87 : vector<1x16xf32> to vector<16xf32>
      %swap3A_89 = vector.shape_cast %broadcast_in_dim3A_0 : vector<16xf32> to vector<1x16xf32>
      tpu.vector_store %arg9[%swap3A_85, %swap3A_86], %swap3A_89 {strides = array<i32>} : memref<128x128xf32, #tpu.memory_space<vmem>>, vector<1x16xf32>,
      %swap3A_90 = arith.index_cast %scan3A_75 : i32 to index
      %swap3A_91 = arith.constant 48 : index
      %swap3A_92 = tpu.vector_load %arg9[%swap3A_90, %swap3A_91] {strides = array<i32>} : memref<128x128xf32, #tpu.memory_space<vmem>>, vector<1x16xf32>,
      %swap3A_93 = vector.shape_cast %swap3A_92 : vector<1x16xf32> to vector<16xf32>
      %swap3A_94 = vector.shape_cast %broadcast_in_dim3A_0 : vector<16xf32> to vector<1x16xf32>
      tpu.vector_store %arg9[%swap3A_90, %swap3A_91], %swap3A_94 {strides = array<i32>} : memref<128x128xf32, #tpu.memory_space<vmem>>, vector<1x16xf32>,
      %swap3A_95 = arith.index_cast %scan3A_75 : i32 to index
      %swap3A_96 = arith.constant 64 : index
      %swap3A_97 = tpu.vector_load %arg9[%swap3A_95, %swap3A_96] {strides = array<i32>} : memref<128x128xf32, #tpu.memory_space<vmem>>, vector<1x16xf32>,
      %swap3A_98 = vector.shape_cast %swap3A_97 : vector<1x16xf32> to vector<16xf32>
      %swap3A_99 = vector.shape_cast %broadcast_in_dim3A_0 : vector<16xf32> to vector<1x16xf32>
      tpu.vector_store %arg9[%swap3A_95, %swap3A_96], %swap3A_99 {strides = array<i32>} : memref<128x128xf32, #tpu.memory_space<vmem>>, vector<1x16xf32>,
      %swap3A_100 = arith.index_cast %scan3A_75 : i32 to index
      %swap3A_101 = arith.constant 80 : index
      %swap3A_102 = tpu.vector_load %arg9[%swap3A_100, %swap3A_101] {strides = array<i32>} : memref<128x128xf32, #tpu.memory_space<vmem>>, vector<1x16xf32>,
      %swap3A_103 = vector.shape_cast %swap3A_102 : vector<1x16xf32> to vector<16xf32>
      %swap3A_104 = vector.shape_cast %broadcast_in_dim3A_0 : vector<16xf32> to vector<1x16xf32>
      tpu.vector_store %arg9[%swap3A_100, %swap3A_101], %swap3A_104 {strides = array<i32>} : memref<128x128xf32, #tpu.memory_space<vmem>>, vector<1x16xf32>,
      %swap3A_105 = arith.index_cast %scan3A_75 : i32 to index
      %swap3A_106 = arith.constant 96 : index
      %swap3A_107 = tpu.vector_load %arg9[%swap3A_105, %swap3A_106] {strides = array<i32>} : memref<128x128xf32, #tpu.memory_space<vmem>>, vector<1x16xf32>,
      %swap3A_108 = vector.shape_cast %swap3A_107 : vector<1x16xf32> to vector<16xf32>
      %swap3A_109 = vector.shape_cast %broadcast_in_dim3A_0 : vector<16xf32> to vector<1x16xf32>
      tpu.vector_store %arg9[%swap3A_105, %swap3A_106], %swap3A_109 {strides = array<i32>} : memref<128x128xf32, #tpu.memory_space<vmem>>, vector<1x16xf32>,
      %swap3A_110 = arith.index_cast %scan3A_75 : i32 to index
      %swap3A_111 = arith.constant 112 : index
      %swap3A_112 = tpu.vector_load %arg9[%swap3A_110, %swap3A_111] {strides = array<i32>} : memref<128x128xf32, #tpu.memory_space<vmem>>, vector<1x16xf32>,
      %swap3A_113 = vector.shape_cast %swap3A_112 : vector<1x16xf32> to vector<16xf32>
      %swap3A_114 = vector.shape_cast %broadcast_in_dim3A_0 : vector<16xf32> to vector<1x16xf32>
      tpu.vector_store %arg9[%swap3A_110, %swap3A_111], %swap3A_114 {strides = array<i32>} : memref<128x128xf32, #tpu.memory_space<vmem>>, vector<1x16xf32>,
    }
    %scan3A_5 = arith.constant 128 : i32
    %mul3A = arith.constant 640 : i32
    %mul3A_6 = arith.muli %arg1, %mul3A : i32
    %add3A = arith.constant 0 : i32
    %add3A_7 = arith.addi %mul3A_6, %add3A : i32
    "tpu.region"() ({
      %run_scoped3A = tpu.sem_alloc : memref<!tpu.dma_semaphore, #tpu.memory_space<semaphore_mem>>
      %dma_start3A_75 = arith.constant 0 : i32
      %dma_start3A_76 = tpu.memref_slice %arg11[%add3A_7, %dma_start3A_75] : memref<10240x128xf32, #tpu.memory_space<vmem_shared>> -> memref<128x128xf32, #tpu.memory_space<vmem_shared>>
      %dma_start3A_77 = arith.constant 0 : i32
      %dma_start3A_78 = tpu.memref_slice %arg11[%add3A_7, %dma_start3A_77] : memref<10240x128xf32, #tpu.memory_space<vmem_shared>> -> memref<128x128xf32, #tpu.memory_space<vmem_shared>>
      tpu.enqueue_dma source(%arg9 : memref<128x128xf32, #tpu.memory_space<vmem>>) target(%dma_start3A_78 : memref<128x128xf32, #tpu.memory_space<vmem_shared>>) target_semaphore(%run_scoped3A : memref<!tpu.dma_semaphore, #tpu.memory_space<semaphore_mem>>)
      %dma_wait3A_79 = arith.constant 0 : i32
      %dma_wait3A_80 = tpu.memref_slice %arg11[%add3A_7, %dma_wait3A_79] : memref<10240x128xf32, #tpu.memory_space<vmem_shared>> -> memref<128x128xf32, #tpu.memory_space<vmem_shared>>
      %dma_wait3A_81 = arith.constant 0 : i32
      %dma_wait3A_82 = tpu.memref_slice %arg11[%add3A_7, %dma_wait3A_81] : memref<10240x128xf32, #tpu.memory_space<vmem_shared>> -> memref<128x128xf32, #tpu.memory_space<vmem_shared>>
      tpu.wait_dma2 semaphore(%run_scoped3A : memref<!tpu.dma_semaphore, #tpu.memory_space<semaphore_mem>>) src(%arg9 : memref<128x128xf32, #tpu.memory_space<vmem>>) dst(%dma_wait3A_82 : memref<128x128xf32, #tpu.memory_space<vmem_shared>>)
      tpu.yield
    }) : () -> ()
    %mul3A_8 = arith.constant 640 : i32
    %mul3A_9 = arith.muli %arg1, %mul3A_8 : i32
    %add3A_10 = arith.constant 128 : i32
    %add3A_11 = arith.addi %mul3A_9, %add3A_10 : i32
    "tpu.region"() ({
      %run_scoped3A = tpu.sem_alloc : memref<!tpu.dma_semaphore, #tpu.memory_space<semaphore_mem>>
      %dma_start3A_75 = arith.constant 0 : i32
      %dma_start3A_76 = tpu.memref_slice %arg11[%add3A_11, %dma_start3A_75] : memref<10240x128xf32, #tpu.memory_space<vmem_shared>> -> memref<128x128xf32, #tpu.memory_space<vmem_shared>>
      %dma_start3A_77 = arith.constant 0 : i32
      %dma_start3A_78 = tpu.memref_slice %arg11[%add3A_11, %dma_start3A_77] : memref<10240x128xf32, #tpu.memory_space<vmem_shared>> -> memref<128x128xf32, #tpu.memory_space<vmem_shared>>
      tpu.enqueue_dma source(%arg9 : memref<128x128xf32, #tpu.memory_space<vmem>>) target(%dma_start3A_78 : memref<128x128xf32, #tpu.memory_space<vmem_shared>>) target_semaphore(%run_scoped3A : memref<!tpu.dma_semaphore, #tpu.memory_space<semaphore_mem>>)
      %dma_wait3A_79 = arith.constant 0 : i32
      %dma_wait3A_80 = tpu.memref_slice %arg11[%add3A_11, %dma_wait3A_79] : memref<10240x128xf32, #tpu.memory_space<vmem_shared>> -> memref<128x128xf32, #tpu.memory_space<vmem_shared>>
      %dma_wait3A_81 = arith.constant 0 : i32
      %dma_wait3A_82 = tpu.memref_slice %arg11[%add3A_11, %dma_wait3A_81] : memref<10240x128xf32, #tpu.memory_space<vmem_shared>> -> memref<128x128xf32, #tpu.memory_space<vmem_shared>>
      tpu.wait_dma2 semaphore(%run_scoped3A : memref<!tpu.dma_semaphore, #tpu.memory_space<semaphore_mem>>) src(%arg9 : memref<128x128xf32, #tpu.memory_space<vmem>>) dst(%dma_wait3A_82 : memref<128x128xf32, #tpu.memory_space<vmem_shared>>)
      tpu.yield
    }) : () -> ()
    %mul3A_12 = arith.constant 640 : i32
    %mul3A_13 = arith.muli %arg1, %mul3A_12 : i32
    %add3A_14 = arith.constant 256 : i32
    %add3A_15 = arith.addi %mul3A_13, %add3A_14 : i32
    "tpu.region"() ({
      %run_scoped3A = tpu.sem_alloc : memref<!tpu.dma_semaphore, #tpu.memory_space<semaphore_mem>>
      %dma_start3A_75 = arith.constant 0 : i32
      %dma_start3A_76 = tpu.memref_slice %arg11[%add3A_15, %dma_start3A_75] : memref<10240x128xf32, #tpu.memory_space<vmem_shared>> -> memref<128x128xf32, #tpu.memory_space<vmem_shared>>
      %dma_start3A_77 = arith.constant 0 : i32
      %dma_start3A_78 = tpu.memref_slice %arg11[%add3A_15, %dma_start3A_77] : memref<10240x128xf32, #tpu.memory_space<vmem_shared>> -> memref<128x128xf32, #tpu.memory_space<vmem_shared>>
      tpu.enqueue_dma source(%arg9 : memref<128x128xf32, #tpu.memory_space<vmem>>) target(%dma_start3A_78 : memref<128x128xf32, #tpu.memory_space<vmem_shared>>) target_semaphore(%run_scoped3A : memref<!tpu.dma_semaphore, #tpu.memory_space<semaphore_mem>>)
      %dma_wait3A_79 = arith.constant 0 : i32
      %dma_wait3A_80 = tpu.memref_slice %arg11[%add3A_15, %dma_wait3A_79] : memref<10240x128xf32, #tpu.memory_space<vmem_shared>> -> memref<128x128xf32, #tpu.memory_space<vmem_shared>>
      %dma_wait3A_81 = arith.constant 0 : i32
      %dma_wait3A_82 = tpu.memref_slice %arg11[%add3A_15, %dma_wait3A_81] : memref<10240x128xf32, #tpu.memory_space<vmem_shared>> -> memref<128x128xf32, #tpu.memory_space<vmem_shared>>
      tpu.wait_dma2 semaphore(%run_scoped3A : memref<!tpu.dma_semaphore, #tpu.memory_space<semaphore_mem>>) src(%arg9 : memref<128x128xf32, #tpu.memory_space<vmem>>) dst(%dma_wait3A_82 : memref<128x128xf32, #tpu.memory_space<vmem_shared>>)
      tpu.yield
    }) : () -> ()
    %mul3A_16 = arith.constant 640 : i32
    %mul3A_17 = arith.muli %arg1, %mul3A_16 : i32
    %add3A_18 = arith.constant 384 : i32
    %add3A_19 = arith.addi %mul3A_17, %add3A_18 : i32
    "tpu.region"() ({
      %run_scoped3A = tpu.sem_alloc : memref<!tpu.dma_semaphore, #tpu.memory_space<semaphore_mem>>
      %dma_start3A_75 = arith.constant 0 : i32
      %dma_start3A_76 = tpu.memref_slice %arg11[%add3A_19, %dma_start3A_75] : memref<10240x128xf32, #tpu.memory_space<vmem_shared>> -> memref<128x128xf32, #tpu.memory_space<vmem_shared>>
      %dma_start3A_77 = arith.constant 0 : i32
      %dma_start3A_78 = tpu.memref_slice %arg11[%add3A_19, %dma_start3A_77] : memref<10240x128xf32, #tpu.memory_space<vmem_shared>> -> memref<128x128xf32, #tpu.memory_space<vmem_shared>>
      tpu.enqueue_dma source(%arg9 : memref<128x128xf32, #tpu.memory_space<vmem>>) target(%dma_start3A_78 : memref<128x128xf32, #tpu.memory_space<vmem_shared>>) target_semaphore(%run_scoped3A : memref<!tpu.dma_semaphore, #tpu.memory_space<semaphore_mem>>)
      %dma_wait3A_79 = arith.constant 0 : i32
      %dma_wait3A_80 = tpu.memref_slice %arg11[%add3A_19, %dma_wait3A_79] : memref<10240x128xf32, #tpu.memory_space<vmem_shared>> -> memref<128x128xf32, #tpu.memory_space<vmem_shared>>
      %dma_wait3A_81 = arith.constant 0 : i32
      %dma_wait3A_82 = tpu.memref_slice %arg11[%add3A_19, %dma_wait3A_81] : memref<10240x128xf32, #tpu.memory_space<vmem_shared>> -> memref<128x128xf32, #tpu.memory_space<vmem_shared>>
      tpu.wait_dma2 semaphore(%run_scoped3A : memref<!tpu.dma_semaphore, #tpu.memory_space<semaphore_mem>>) src(%arg9 : memref<128x128xf32, #tpu.memory_space<vmem>>) dst(%dma_wait3A_82 : memref<128x128xf32, #tpu.memory_space<vmem_shared>>)
      tpu.yield
    }) : () -> ()
    %mul3A_20 = arith.constant 640 : i32
    %mul3A_21 = arith.muli %arg1, %mul3A_20 : i32
    %add3A_22 = arith.constant 512 : i32
    %add3A_23 = arith.addi %mul3A_21, %add3A_22 : i32
    "tpu.region"() ({
      %run_scoped3A = tpu.sem_alloc : memref<!tpu.dma_semaphore, #tpu.memory_space<semaphore_mem>>
      %dma_start3A_75 = arith.constant 0 : i32
      %dma_start3A_76 = tpu.memref_slice %arg11[%add3A_23, %dma_start3A_75] : memref<10240x128xf32, #tpu.memory_space<vmem_shared>> -> memref<128x128xf32, #tpu.memory_space<vmem_shared>>
      %dma_start3A_77 = arith.constant 0 : i32
      %dma_start3A_78 = tpu.memref_slice %arg11[%add3A_23, %dma_start3A_77] : memref<10240x128xf32, #tpu.memory_space<vmem_shared>> -> memref<128x128xf32, #tpu.memory_space<vmem_shared>>
      tpu.enqueue_dma source(%arg9 : memref<128x128xf32, #tpu.memory_space<vmem>>) target(%dma_start3A_78 : memref<128x128xf32, #tpu.memory_space<vmem_shared>>) target_semaphore(%run_scoped3A : memref<!tpu.dma_semaphore, #tpu.memory_space<semaphore_mem>>)
      %dma_wait3A_79 = arith.constant 0 : i32
      %dma_wait3A_80 = tpu.memref_slice %arg11[%add3A_23, %dma_wait3A_79] : memref<10240x128xf32, #tpu.memory_space<vmem_shared>> -> memref<128x128xf32, #tpu.memory_space<vmem_shared>>
      %dma_wait3A_81 = arith.constant 0 : i32
      %dma_wait3A_82 = tpu.memref_slice %arg11[%add3A_23, %dma_wait3A_81] : memref<10240x128xf32, #tpu.memory_space<vmem_shared>> -> memref<128x128xf32, #tpu.memory_space<vmem_shared>>
      tpu.wait_dma2 semaphore(%run_scoped3A : memref<!tpu.dma_semaphore, #tpu.memory_space<semaphore_mem>>) src(%arg9 : memref<128x128xf32, #tpu.memory_space<vmem>>) dst(%dma_wait3A_82 : memref<128x128xf32, #tpu.memory_space<vmem_shared>>)
      tpu.yield
    }) : () -> ()
    "tpu.region"() ({
      %run_scoped3A = tpu.sem_alloc : memref<!tpu.dma_semaphore, #tpu.memory_space<semaphore_mem>>
      %dma_start3A_75 = arith.constant 0 : i32
      %dma_start3A_76 = arith.constant 0 : i32
      %dma_start3A_77 = tpu.memref_slice %arg3[%arg0, %arg1, %dma_start3A_75, %dma_start3A_76] : memref<2x16x82x128xi32, #tpu.memory_space<hbm>> -> memref<1x1x82x128xi32, #tpu.memory_space<hbm>>
      %dma_start3A_78 = tpu.memref_squeeze %dma_start3A_77 : memref<1x1x82x128xi32, #tpu.memory_space<hbm>> -> memref<82x128xi32, #tpu.memory_space<hbm>>
      %dma_start3A_79 = arith.constant 0 : i32
      %dma_start3A_80 = arith.constant 0 : i32
      %dma_start3A_81 = tpu.memref_slice %arg3[%arg0, %arg1, %dma_start3A_79, %dma_start3A_80] : memref<2x16x82x128xi32, #tpu.memory_space<hbm>> -> memref<1x1x82x128xi32, #tpu.memory_space<hbm>>
      %dma_start3A_82 = tpu.memref_squeeze %dma_start3A_81 : memref<1x1x82x128xi32, #tpu.memory_space<hbm>> -> memref<82x128xi32, #tpu.memory_space<hbm>>
      tpu.enqueue_dma source(%dma_start3A_82 : memref<82x128xi32, #tpu.memory_space<hbm>>) target(%arg6 : memref<82x128xi32, #tpu.memory_space<vmem>>) target_semaphore(%run_scoped3A : memref<!tpu.dma_semaphore, #tpu.memory_space<semaphore_mem>>)
      %dma_wait3A_83 = arith.constant 0 : i32
      %dma_wait3A_84 = arith.constant 0 : i32
      %dma_wait3A_85 = tpu.memref_slice %arg3[%arg0, %arg1, %dma_wait3A_83, %dma_wait3A_84] : memref<2x16x82x128xi32, #tpu.memory_space<hbm>> -> memref<1x1x82x128xi32, #tpu.memory_space<hbm>>
      %dma_wait3A_86 = tpu.memref_squeeze %dma_wait3A_85 : memref<1x1x82x128xi32, #tpu.memory_space<hbm>> -> memref<82x128xi32, #tpu.memory_space<hbm>>
      %dma_wait3A_87 = arith.constant 0 : i32
      %dma_wait3A_88 = arith.constant 0 : i32
      %dma_wait3A_89 = tpu.memref_slice %arg3[%arg0, %arg1, %dma_wait3A_87, %dma_wait3A_88] : memref<2x16x82x128xi32, #tpu.memory_space<hbm>> -> memref<1x1x82x128xi32, #tpu.memory_space<hbm>>
      %dma_wait3A_90 = tpu.memref_squeeze %dma_wait3A_89 : memref<1x1x82x128xi32, #tpu.memory_space<hbm>> -> memref<82x128xi32, #tpu.memory_space<hbm>>
      tpu.wait_dma2 semaphore(%run_scoped3A : memref<!tpu.dma_semaphore, #tpu.memory_space<semaphore_mem>>) src(%dma_wait3A_90 : memref<82x128xi32, #tpu.memory_space<hbm>>) dst(%arg6 : memref<82x128xi32, #tpu.memory_space<vmem>>)
      tpu.yield
    }) : () -> ()
    %barrier3A = arith.constant 0 : index
    tpu.barrier barrier_id(%barrier3A)
    %dma_start3A = arith.constant 0 : i32
    %dma_start3A_24 = arith.constant 0 : i32
    %dma_start3A_25 = tpu.memref_slice %arg4[%arg0, %arg1, %dma_start3A, %dma_start3A_24] : memref<2x16x82x128xi32, #tpu.memory_space<hbm>> -> memref<1x1x1x128xi32, #tpu.memory_space<hbm>>
    %dma_start3A_26 = tpu.memref_squeeze %dma_start3A_25 : memref<1x1x1x128xi32, #tpu.memory_space<hbm>> -> memref<128xi32, #tpu.memory_space<hbm>>
    %dma_start3A_27 = arith.constant 0 : i32
    %dma_start3A_28 = tpu.memref_slice %arg4[%arg0, %arg1, %dma_start3A, %dma_start3A_27] : memref<2x16x82x128xi32, #tpu.memory_space<hbm>> -> memref<1x1x1x128xi32, #tpu.memory_space<hbm>>
    %dma_start3A_29 = tpu.memref_squeeze %dma_start3A_28 : memref<1x1x1x128xi32, #tpu.memory_space<hbm>> -> memref<128xi32, #tpu.memory_space<hbm>>
    tpu.enqueue_dma source(%dma_start3A_29 : memref<128xi32, #tpu.memory_space<hbm>>) target(%arg7 : memref<128xi32, #tpu.memory_space<vmem>>) target_semaphore(%arg14 : memref<!tpu.dma_semaphore, #tpu.memory_space<semaphore_mem>>)
    %dma_start3A_30 = arith.constant 0 : i32
    %dma_start3A_31 = arith.constant 0 : i32
    %dma_start3A_32 = tpu.memref_slice %arg6[%dma_start3A_30, %dma_start3A_31] : memref<82x128xi32, #tpu.memory_space<vmem>> -> memref<1x128xi32, #tpu.memory_space<vmem>>
    %dma_start3A_33 = tpu.memref_squeeze %dma_start3A_32 : memref<1x128xi32, #tpu.memory_space<vmem>> -> memref<128xi32, #tpu.memory_space<vmem>>
    %dma_start3A_34 = arith.constant 0 : i32
    %dma_start3A_35 = arith.constant 0 : i32
    %dma_start3A_36 = tpu.memref_slice %arg2[%dma_start3A_34, %dma_start3A_35] : memref<10000x128xf32, #tpu.memory_space<hbm>> -> memref<10000x128xf32, #tpu.memory_space<hbm>>
    tpu.enqueue_indirect_dma source(%dma_start3A_36 : memref<10000x128xf32, #tpu.memory_space<hbm>>) target(%arg9 : memref<128x128xf32, #tpu.memory_space<vmem>>) offsets(%dma_start3A_33 : memref<128xi32, #tpu.memory_space<vmem>>) semaphore(%arg12 : memref<!tpu.dma_semaphore, #tpu.memory_space<semaphore_mem>>)
    %dma_start3A_37 = arith.constant 1 : i32
    %dma_start3A_38 = arith.constant 0 : i32
    %dma_start3A_39 = tpu.memref_slice %arg6[%dma_start3A_37, %dma_start3A_38] : memref<82x128xi32, #tpu.memory_space<vmem>> -> memref<1x128xi32, #tpu.memory_space<vmem>>
    %dma_start3A_40 = tpu.memref_squeeze %dma_start3A_39 : memref<1x128xi32, #tpu.memory_space<vmem>> -> memref<128xi32, #tpu.memory_space<vmem>>
    %dma_start3A_41 = arith.constant 0 : i32
    %dma_start3A_42 = arith.constant 0 : i32
    %dma_start3A_43 = tpu.memref_slice %arg2[%dma_start3A_41, %dma_start3A_42] : memref<10000x128xf32, #tpu.memory_space<hbm>> -> memref<10000x128xf32, #tpu.memory_space<hbm>>
    tpu.enqueue_indirect_dma source(%dma_start3A_43 : memref<10000x128xf32, #tpu.memory_space<hbm>>) target(%arg10 : memref<128x128xf32, #tpu.memory_space<vmem>>) offsets(%dma_start3A_40 : memref<128xi32, #tpu.memory_space<vmem>>) semaphore(%arg13 : memref<!tpu.dma_semaphore, #tpu.memory_space<semaphore_mem>>)
    %scan3A_44 = arith.constant 0 : i32
    %scan3A_45 = arith.constant 0 : i32
    %scan3A_46 = arith.constant 40 : i32
    %scan3A_47 = arith.addi %scan3A_45, %scan3A_46 : i32
    %scan3A_48 = arith.constant 1 : i32
    scf.for %scan3A_75 = %scan3A_45 to %scan3A_47 step %scan3A_48  : i32 {
      %mul3A_76 = arith.constant 2 : i32
      %mul3A_77 = arith.muli %mul3A_76, %scan3A_75 : i32
      %add3A_78 = arith.constant 1 : i32
      %add3A_79 = arith.addi %mul3A_77, %add3A_78 : i32
      %dma_start3A_80 = arith.constant 0 : i32
      %dma_start3A_81 = tpu.memref_slice %arg4[%arg0, %arg1, %add3A_79, %dma_start3A_80] : memref<2x16x82x128xi32, #tpu.memory_space<hbm>> -> memref<1x1x1x128xi32, #tpu.memory_space<hbm>>
      %dma_start3A_82 = tpu.memref_squeeze %dma_start3A_81 : memref<1x1x1x128xi32, #tpu.memory_space<hbm>> -> memref<128xi32, #tpu.memory_space<hbm>>
      %dma_start3A_83 = arith.constant 0 : i32
      %dma_start3A_84 = tpu.memref_slice %arg4[%arg0, %arg1, %add3A_79, %dma_start3A_83] : memref<2x16x82x128xi32, #tpu.memory_space<hbm>> -> memref<1x1x1x128xi32, #tpu.memory_space<hbm>>
      %dma_start3A_85 = tpu.memref_squeeze %dma_start3A_84 : memref<1x1x1x128xi32, #tpu.memory_space<hbm>> -> memref<128xi32, #tpu.memory_space<hbm>>
      tpu.enqueue_dma source(%dma_start3A_85 : memref<128xi32, #tpu.memory_space<hbm>>) target(%arg8 : memref<128xi32, #tpu.memory_space<vmem>>) target_semaphore(%arg15 : memref<!tpu.dma_semaphore, #tpu.memory_space<semaphore_mem>>)
      %dma_wait3A_86 = arith.constant 0 : i32
      %dma_wait3A_87 = tpu.memref_slice %arg6[%mul3A_77, %dma_wait3A_86] : memref<82x128xi32, #tpu.memory_space<vmem>> -> memref<1x128xi32, #tpu.memory_space<vmem>>
      %dma_wait3A_88 = tpu.memref_squeeze %dma_wait3A_87 : memref<1x128xi32, #tpu.memory_space<vmem>> -> memref<128xi32, #tpu.memory_space<vmem>>
      %dma_wait3A_89 = arith.constant 0 : i32
      %dma_wait3A_90 = arith.constant 0 : i32
      %dma_wait3A_91 = tpu.memref_slice %arg2[%dma_wait3A_89, %dma_wait3A_90] : memref<10000x128xf32, #tpu.memory_space<hbm>> -> memref<10000x128xf32, #tpu.memory_space<hbm>>
      tpu.wait_indirect_dma semaphore(%arg12 : memref<!tpu.dma_semaphore, #tpu.memory_space<semaphore_mem>>) src(%dma_wait3A_91 : memref<10000x128xf32, #tpu.memory_space<hbm>>) dst(%arg9 : memref<128x128xf32, #tpu.memory_space<vmem>>)
      %dma_wait3A_92 = arith.constant 0 : i32
      %dma_wait3A_93 = tpu.memref_slice %arg4[%arg0, %arg1, %mul3A_77, %dma_wait3A_92] : memref<2x16x82x128xi32, #tpu.memory_space<hbm>> -> memref<1x1x1x128xi32, #tpu.memory_space<hbm>>
      %dma_wait3A_94 = tpu.memref_squeeze %dma_wait3A_93 : memref<1x1x1x128xi32, #tpu.memory_space<hbm>> -> memref<128xi32, #tpu.memory_space<hbm>>
      %dma_wait3A_95 = arith.constant 0 : i32
      %dma_wait3A_96 = tpu.memref_slice %arg4[%arg0, %arg1, %mul3A_77, %dma_wait3A_95] : memref<2x16x82x128xi32, #tpu.memory_space<hbm>> -> memref<1x1x1x128xi32, #tpu.memory_space<hbm>>
      %dma_wait3A_97 = tpu.memref_squeeze %dma_wait3A_96 : memref<1x1x1x128xi32, #tpu.memory_space<hbm>> -> memref<128xi32, #tpu.memory_space<hbm>>
      tpu.wait_dma2 semaphore(%arg14 : memref<!tpu.dma_semaphore, #tpu.memory_space<semaphore_mem>>) src(%dma_wait3A_97 : memref<128xi32, #tpu.memory_space<hbm>>) dst(%arg7 : memref<128xi32, #tpu.memory_space<vmem>>)
      "tpu.region"() ({
        %run_scoped3A = tpu.sem_alloc : memref<!tpu.dma_semaphore, #tpu.memory_space<semaphore_mem>>
        %dma_start3A_134 = arith.constant 0 : i32
        %dma_start3A_135 = arith.constant 0 : i32
        %dma_start3A_136 = tpu.memref_slice %arg11[%dma_start3A_134, %dma_start3A_135] : memref<10240x128xf32, #tpu.memory_space<vmem_shared>> -> memref<10240x128xf32, #tpu.memory_space<vmem_shared>>
        tpu.enqueue_indirect_dma source(%arg9 : memref<128x128xf32, #tpu.memory_space<vmem>>) target(%dma_start3A_136 : memref<10240x128xf32, #tpu.memory_space<vmem_shared>>) offsets(%arg7 : memref<128xi32, #tpu.memory_space<vmem>>) semaphore(%run_scoped3A : memref<!tpu.dma_semaphore, #tpu.memory_space<semaphore_mem>>) {add = true}
        %dma_wait3A_137 = arith.constant 0 : i32
        %dma_wait3A_138 = arith.constant 0 : i32
        %dma_wait3A_139 = tpu.memref_slice %arg11[%dma_wait3A_137, %dma_wait3A_138] : memref<10240x128xf32, #tpu.memory_space<vmem_shared>> -> memref<10240x128xf32, #tpu.memory_space<vmem_shared>>
        tpu.wait_indirect_dma semaphore(%run_scoped3A : memref<!tpu.dma_semaphore, #tpu.memory_space<semaphore_mem>>) src(%arg9 : memref<128x128xf32, #tpu.memory_space<vmem>>) dst(%dma_wait3A_139 : memref<10240x128xf32, #tpu.memory_space<vmem_shared>>)
        tpu.yield
      }) : () -> ()
      %add3A_98 = arith.constant 2 : i32
      %add3A_99 = arith.addi %mul3A_77, %add3A_98 : i32
      %dma_start3A_100 = arith.constant 0 : i32
      %dma_start3A_101 = tpu.memref_slice %arg6[%add3A_99, %dma_start3A_100] : memref<82x128xi32, #tpu.memory_space<vmem>> -> memref<1x128xi32, #tpu.memory_space<vmem>>
      %dma_start3A_102 = tpu.memref_squeeze %dma_start3A_101 : memref<1x128xi32, #tpu.memory_space<vmem>> -> memref<128xi32, #tpu.memory_space<vmem>>
      %dma_start3A_103 = arith.constant 0 : i32
      %dma_start3A_104 = arith.constant 0 : i32
      %dma_start3A_105 = tpu.memref_slice %arg2[%dma_start3A_103, %dma_start3A_104] : memref<10000x128xf32, #tpu.memory_space<hbm>> -> memref<10000x128xf32, #tpu.memory_space<hbm>>
      tpu.enqueue_indirect_dma source(%dma_start3A_105 : memref<10000x128xf32, #tpu.memory_space<hbm>>) target(%arg9 : memref<128x128xf32, #tpu.memory_space<vmem>>) offsets(%dma_start3A_102 : memref<128xi32, #tpu.memory_space<vmem>>) semaphore(%arg12 : memref<!tpu.dma_semaphore, #tpu.memory_space<semaphore_mem>>)
      %add3A_106 = arith.constant 1 : i32
      %add3A_107 = arith.addi %add3A_79, %add3A_106 : i32
      %dma_start3A_108 = arith.constant 0 : i32
      %dma_start3A_109 = tpu.memref_slice %arg4[%arg0, %arg1, %add3A_107, %dma_start3A_108] : memref<2x16x82x128xi32, #tpu.memory_space<hbm>> -> memref<1x1x1x128xi32, #tpu.memory_space<hbm>>
      %dma_start3A_110 = tpu.memref_squeeze %dma_start3A_109 : memref<1x1x1x128xi32, #tpu.memory_space<hbm>> -> memref<128xi32, #tpu.memory_space<hbm>>
      %dma_start3A_111 = arith.constant 0 : i32
      %dma_start3A_112 = tpu.memref_slice %arg4[%arg0, %arg1, %add3A_107, %dma_start3A_111] : memref<2x16x82x128xi32, #tpu.memory_space<hbm>> -> memref<1x1x1x128xi32, #tpu.memory_space<hbm>>
      %dma_start3A_113 = tpu.memref_squeeze %dma_start3A_112 : memref<1x1x1x128xi32, #tpu.memory_space<hbm>> -> memref<128xi32, #tpu.memory_space<hbm>>
      tpu.enqueue_dma source(%dma_start3A_113 : memref<128xi32, #tpu.memory_space<hbm>>) target(%arg7 : memref<128xi32, #tpu.memory_space<vmem>>) target_semaphore(%arg14 : memref<!tpu.dma_semaphore, #tpu.memory_space<semaphore_mem>>)
      %dma_wait3A_114 = arith.constant 0 : i32
      %dma_wait3A_115 = tpu.memref_slice %arg6[%add3A_79, %dma_wait3A_114] : memref<82x128xi32, #tpu.memory_space<vmem>> -> memref<1x128xi32, #tpu.memory_space<vmem>>
      %dma_wait3A_116 = tpu.memref_squeeze %dma_wait3A_115 : memref<1x128xi32, #tpu.memory_space<vmem>> -> memref<128xi32, #tpu.memory_space<vmem>>
      %dma_wait3A_117 = arith.constant 0 : i32
      %dma_wait3A_118 = arith.constant 0 : i32
      %dma_wait3A_119 = tpu.memref_slice %arg2[%dma_wait3A_117, %dma_wait3A_118] : memref<10000x128xf32, #tpu.memory_space<hbm>> -> memref<10000x128xf32, #tpu.memory_space<hbm>>
      tpu.wait_indirect_dma semaphore(%arg13 : memref<!tpu.dma_semaphore, #tpu.memory_space<semaphore_mem>>) src(%dma_wait3A_119 : memref<10000x128xf32, #tpu.memory_space<hbm>>) dst(%arg10 : memref<128x128xf32, #tpu.memory_space<vmem>>)
      %dma_wait3A_120 = arith.constant 0 : i32
      %dma_wait3A_121 = tpu.memref_slice %arg4[%arg0, %arg1, %add3A_79, %dma_wait3A_120] : memref<2x16x82x128xi32, #tpu.memory_space<hbm>> -> memref<1x1x1x128xi32, #tpu.memory_space<hbm>>
      %dma_wait3A_122 = tpu.memref_squeeze %dma_wait3A_121 : memref<1x1x1x128xi32, #tpu.memory_space<hbm>> -> memref<128xi32, #tpu.memory_space<hbm>>
      %dma_wait3A_123 = arith.constant 0 : i32
      %dma_wait3A_124 = tpu.memref_slice %arg4[%arg0, %arg1, %add3A_79, %dma_wait3A_123] : memref<2x16x82x128xi32, #tpu.memory_space<hbm>> -> memref<1x1x1x128xi32, #tpu.memory_space<hbm>>
      %dma_wait3A_125 = tpu.memref_squeeze %dma_wait3A_124 : memref<1x1x1x128xi32, #tpu.memory_space<hbm>> -> memref<128xi32, #tpu.memory_space<hbm>>
      tpu.wait_dma2 semaphore(%arg15 : memref<!tpu.dma_semaphore, #tpu.memory_space<semaphore_mem>>) src(%dma_wait3A_125 : memref<128xi32, #tpu.memory_space<hbm>>) dst(%arg8 : memref<128xi32, #tpu.memory_space<vmem>>)
      "tpu.region"() ({
        %run_scoped3A = tpu.sem_alloc : memref<!tpu.dma_semaphore, #tpu.memory_space<semaphore_mem>>
        %dma_start3A_134 = arith.constant 0 : i32
        %dma_start3A_135 = arith.constant 0 : i32
        %dma_start3A_136 = tpu.memref_slice %arg11[%dma_start3A_134, %dma_start3A_135] : memref<10240x128xf32, #tpu.memory_space<vmem_shared>> -> memref<10240x128xf32, #tpu.memory_space<vmem_shared>>
        tpu.enqueue_indirect_dma source(%arg10 : memref<128x128xf32, #tpu.memory_space<vmem>>) target(%dma_start3A_136 : memref<10240x128xf32, #tpu.memory_space<vmem_shared>>) offsets(%arg8 : memref<128xi32, #tpu.memory_space<vmem>>) semaphore(%run_scoped3A : memref<!tpu.dma_semaphore, #tpu.memory_space<semaphore_mem>>) {add = true}
        %dma_wait3A_137 = arith.constant 0 : i32
        %dma_wait3A_138 = arith.constant 0 : i32
        %dma_wait3A_139 = tpu.memref_slice %arg11[%dma_wait3A_137, %dma_wait3A_138] : memref<10240x128xf32, #tpu.memory_space<vmem_shared>> -> memref<10240x128xf32, #tpu.memory_space<vmem_shared>>
        tpu.wait_indirect_dma semaphore(%run_scoped3A : memref<!tpu.dma_semaphore, #tpu.memory_space<semaphore_mem>>) src(%arg10 : memref<128x128xf32, #tpu.memory_space<vmem>>) dst(%dma_wait3A_139 : memref<10240x128xf32, #tpu.memory_space<vmem_shared>>)
        tpu.yield
      }) : () -> ()
      %add3A_126 = arith.constant 2 : i32
      %add3A_127 = arith.addi %add3A_79, %add3A_126 : i32
      %dma_start3A_128 = arith.constant 0 : i32
      %dma_start3A_129 = tpu.memref_slice %arg6[%add3A_127, %dma_start3A_128] : memref<82x128xi32, #tpu.memory_space<vmem>> -> memref<1x128xi32, #tpu.memory_space<vmem>>
      %dma_start3A_130 = tpu.memref_squeeze %dma_start3A_129 : memref<1x128xi32, #tpu.memory_space<vmem>> -> memref<128xi32, #tpu.memory_space<vmem>>
      %dma_start3A_131 = arith.constant 0 : i32
      %dma_start3A_132 = arith.constant 0 : i32
      %dma_start3A_133 = tpu.memref_slice %arg2[%dma_start3A_131, %dma_start3A_132] : memref<10000x128xf32, #tpu.memory_space<hbm>> -> memref<10000x128xf32, #tpu.memory_space<hbm>>
      tpu.enqueue_indirect_dma source(%dma_start3A_133 : memref<10000x128xf32, #tpu.memory_space<hbm>>) target(%arg10 : memref<128x128xf32, #tpu.memory_space<vmem>>) offsets(%dma_start3A_130 : memref<128xi32, #tpu.memory_space<vmem>>) semaphore(%arg13 : memref<!tpu.dma_semaphore, #tpu.memory_space<semaphore_mem>>)
    }
    %scan3A_49 = arith.constant 40 : i32
    %dma_wait3A = arith.constant 80 : i32
    %dma_wait3A_50 = arith.constant 0 : i32
    %dma_wait3A_51 = tpu.memref_slice %arg6[%dma_wait3A, %dma_wait3A_50] : memref<82x128xi32, #tpu.memory_space<vmem>> -> memref<1x128xi32, #tpu.memory_space<vmem>>
    %dma_wait3A_52 = tpu.memref_squeeze %dma_wait3A_51 : memref<1x128xi32, #tpu.memory_space<vmem>> -> memref<128xi32, #tpu.memory_space<vmem>>
    %dma_wait3A_53 = arith.constant 0 : i32
    %dma_wait3A_54 = arith.constant 0 : i32
    %dma_wait3A_55 = tpu.memref_slice %arg2[%dma_wait3A_53, %dma_wait3A_54] : memref<10000x128xf32, #tpu.memory_space<hbm>> -> memref<10000x128xf32, #tpu.memory_space<hbm>>
    tpu.wait_indirect_dma semaphore(%arg12 : memref<!tpu.dma_semaphore, #tpu.memory_space<semaphore_mem>>) src(%dma_wait3A_55 : memref<10000x128xf32, #tpu.memory_space<hbm>>) dst(%arg9 : memref<128x128xf32, #tpu.memory_space<vmem>>)
    %dma_wait3A_56 = arith.constant 81 : i32
    %dma_wait3A_57 = arith.constant 0 : i32
    %dma_wait3A_58 = tpu.memref_slice %arg6[%dma_wait3A_56, %dma_wait3A_57] : memref<82x128xi32, #tpu.memory_space<vmem>> -> memref<1x128xi32, #tpu.memory_space<vmem>>
    %dma_wait3A_59 = tpu.memref_squeeze %dma_wait3A_58 : memref<1x128xi32, #tpu.memory_space<vmem>> -> memref<128xi32, #tpu.memory_space<vmem>>
    %dma_wait3A_60 = arith.constant 0 : i32
    %dma_wait3A_61 = arith.constant 0 : i32
    %dma_wait3A_62 = tpu.memref_slice %arg2[%dma_wait3A_60, %dma_wait3A_61] : memref<10000x128xf32, #tpu.memory_space<hbm>> -> memref<10000x128xf32, #tpu.memory_space<hbm>>
    tpu.wait_indirect_dma semaphore(%arg13 : memref<!tpu.dma_semaphore, #tpu.memory_space<semaphore_mem>>) src(%dma_wait3A_62 : memref<10000x128xf32, #tpu.memory_space<hbm>>) dst(%arg10 : memref<128x128xf32, #tpu.memory_space<vmem>>)
    %dma_wait3A_63 = arith.constant 80 : i32
    %dma_wait3A_64 = arith.constant 0 : i32
    %dma_wait3A_65 = tpu.memref_slice %arg4[%arg0, %arg1, %dma_wait3A_63, %dma_wait3A_64] : memref<2x16x82x128xi32, #tpu.memory_space<hbm>> -> memref<1x1x1x128xi32, #tpu.memory_space<hbm>>
    %dma_wait3A_66 = tpu.memref_squeeze %dma_wait3A_65 : memref<1x1x1x128xi32, #tpu.memory_space<hbm>> -> memref<128xi32, #tpu.memory_space<hbm>>
    %dma_wait3A_67 = arith.constant 0 : i32
    %dma_wait3A_68 = tpu.memref_slice %arg4[%arg0, %arg1, %dma_wait3A_63, %dma_wait3A_67] : memref<2x16x82x128xi32, #tpu.memory_space<hbm>> -> memref<1x1x1x128xi32, #tpu.memory_space<hbm>>
    %dma_wait3A_69 = tpu.memref_squeeze %dma_wait3A_68 : memref<1x1x1x128xi32, #tpu.memory_space<hbm>> -> memref<128xi32, #tpu.memory_space<hbm>>
    tpu.wait_dma2 semaphore(%arg14 : memref<!tpu.dma_semaphore, #tpu.memory_space<semaphore_mem>>) src(%dma_wait3A_69 : memref<128xi32, #tpu.memory_space<hbm>>) dst(%arg7 : memref<128xi32, #tpu.memory_space<vmem>>)
    %barrier3A_70 = arith.constant 0 : index
    tpu.barrier barrier_id(%barrier3A_70)
    %mul3A_71 = arith.constant 640 : i32
    %mul3A_72 = arith.muli %arg1, %mul3A_71 : i32
    %mul3A_73 = arith.constant 640 : i32
    %mul3A_74 = arith.muli %arg1, %mul3A_73 : i32
    "tpu.region"() ({
      %run_scoped3A = tpu.sem_alloc : memref<!tpu.dma_semaphore, #tpu.memory_space<semaphore_mem>>
      %dma_start3A_75 = arith.constant 0 : i32
      %dma_start3A_76 = tpu.memref_slice %arg5[%arg0, %mul3A_74, %dma_start3A_75] : memref<2x10240x128xf32, #tpu.memory_space<hbm>> -> memref<1x640x128xf32, #tpu.memory_space<hbm>>
      %dma_start3A_77 = tpu.memref_squeeze %dma_start3A_76 : memref<1x640x128xf32, #tpu.memory_space<hbm>> -> memref<640x128xf32, #tpu.memory_space<hbm>>
      %dma_start3A_78 = arith.constant 0 : i32
      %dma_start3A_79 = tpu.memref_slice %arg11[%mul3A_72, %dma_start3A_78] : memref<10240x128xf32, #tpu.memory_space<vmem_shared>> -> memref<640x128xf32, #tpu.memory_space<vmem_shared>>
      tpu.enqueue_dma source(%dma_start3A_79 : memref<640x128xf32, #tpu.memory_space<vmem_shared>>) target(%dma_start3A_77 : memref<640x128xf32, #tpu.memory_space<hbm>>) target_semaphore(%run_scoped3A : memref<!tpu.dma_semaphore, #tpu.memory_space<semaphore_mem>>)
      %dma_wait3A_80 = arith.constant 0 : i32
      %dma_wait3A_81 = tpu.memref_slice %arg5[%arg0, %mul3A_74, %dma_wait3A_80] : memref<2x10240x128xf32, #tpu.memory_space<hbm>> -> memref<1x640x128xf32, #tpu.memory_space<hbm>>
      %dma_wait3A_82 = tpu.memref_squeeze %dma_wait3A_81 : memref<1x640x128xf32, #tpu.memory_space<hbm>> -> memref<640x128xf32, #tpu.memory_space<hbm>>
      %dma_wait3A_83 = arith.constant 0 : i32
      %dma_wait3A_84 = tpu.memref_slice %arg11[%mul3A_72, %dma_wait3A_83] : memref<10240x128xf32, #tpu.memory_space<vmem_shared>> -> memref<640x128xf32, #tpu.memory_space<vmem_shared>>
      tpu.wait_dma2 semaphore(%run_scoped3A : memref<!tpu.dma_semaphore, #tpu.memory_space<semaphore_mem>>) src(%dma_wait3A_84 : memref<640x128xf32, #tpu.memory_space<vmem_shared>>) dst(%dma_wait3A_82 : memref<640x128xf32, #tpu.memory_space<hbm>>)
      tpu.yield
    }) : () -> ()
    return
  }
}

#map = affine_map<(d0, d1) -> (0, 0)>
#map1 = affine_map<(d0, d1) -> (0, 0, 0, 0)>
#map2 = affine_map<(d0, d1) -> (0, 0, 0)>
module attributes {stable_mosaic.version = 14 : i64} {
  func.func @_sc_aggregate(%arg0: i32, %arg1: i32, %arg2: memref<10000x128xf32, #tpu.memory_space<hbm>>, %arg3: memref<2x16x82x128xi32, #tpu.memory_space<hbm>>, %arg4: memref<2x16x82x128xi32, #tpu.memory_space<hbm>>, %arg5: memref<2x10240x128xf32, #tpu.memory_space<hbm>>, %arg6: memref<82x128xi32, #tpu.memory_space<vmem>>, %arg7: memref<128xi32, #tpu.memory_space<vmem>>, %arg8: memref<128xi32, #tpu.memory_space<vmem>>, %arg9: memref<128x128xf32, #tpu.memory_space<vmem>>, %arg10: memref<128x128xf32, #tpu.memory_space<vmem>>, %arg11: memref<10240x128xf32, #tpu.memory_space<vmem_shared>>, %arg12: memref<!tpu.dma_semaphore, #tpu.memory_space<semaphore_mem>>, %arg13: memref<!tpu.dma_semaphore, #tpu.memory_space<semaphore_mem>>, %arg14: memref<!tpu.dma_semaphore, #tpu.memory_space<semaphore_mem>>, %arg15: memref<!tpu.dma_semaphore, #tpu.memory_space<semaphore_mem>>) attributes {dimension_semantics = [#tpu.dimension_semantics<core_parallel>, #tpu.dimension_semantics<subcore_parallel>], iteration_bounds = array<i64: 2, 16>, scalar_prefetch = 0 : i64, scratch_operands = 10 : i64, tpu.core_type = #tpu.core_type<sc_vector_subcore>, window_params = [{transform_indices = #map}, {transform_indices = #map1}, {transform_indices = #map1}, {transform_indices = #map2}]} {
    %broadcast_in_dim3A = arith.constant 0.000000e+00 : f32
    %broadcast_in_dim3A_0 = vector.broadcast %broadcast_in_dim3A : f32 to vector<16xf32>
    %scan3A = arith.constant 0 : i32
    %scan3A_1 = arith.constant 0 : i32
    %scan3A_2 = arith.constant 128 : i32
    %scan3A_3 = arith.addi %scan3A_1, %scan3A_2 : i32
    %scan3A_4 = arith.constant 1 : i32
    scf.for %scan3A_75 = %scan3A_1 to %scan3A_3 step %scan3A_4  : i32 {
      %swap3A = arith.index_cast %scan3A_75 : i32 to index
      %swap3A_76 = arith.constant 0 : index
      %swap3A_77 = tpu.vector_load %arg9[%swap3A, %swap3A_76] {strides = array<i32>} : memref<128x128xf32, #tpu.memory_space<vmem>>, vector<1x16xf32>,
      %swap3A_78 = vector.shape_cast %swap3A_77 : vector<1x16xf32> to vector<16xf32>
      %swap3A_79 = vector.shape_cast %broadcast_in_dim3A_0 : vector<16xf32> to vector<1x16xf32>
      tpu.vector_store %arg9[%swap3A, %swap3A_76], %swap3A_79 {strides = array<i32>} : memref<128x128xf32, #tpu.memory_space<vmem>>, vector<1x16xf32>,
      %swap3A_80 = arith.index_cast %scan3A_75 : i32 to index
      %swap3A_81 = arith.constant 16 : index
      %swap3A_82 = tpu.vector_load %arg9[%swap3A_80, %swap3A_81] {strides = array<i32>} : memref<128x128xf32, #tpu.memory_space<vmem>>, vector<1x16xf32>,
      %swap3A_83 = vector.shape_cast %swap3A_82 : vector<1x16xf32> to vector<16xf32>
      %swap3A_84 = vector.shape_cast %broadcast_in_dim3A_0 : vector<16xf32> to vector<1x16xf32>
      tpu.vector_store %arg9[%swap3A_80, %swap3A_81], %swap3A_84 {strides = array<i32>} : memref<128x128xf32, #tpu.memory_space<vmem>>, vector<1x16xf32>,
      %swap3A_85 = arith.index_cast %scan3A_75 : i32 to index
      %swap3A_86 = arith.constant 32 : index
      %swap3A_87 = tpu.vector_load %arg9[%swap3A_85, %swap3A_86] {strides = array<i32>} : memref<128x128xf32, #tpu.memory_space<vmem>>, vector<1x16xf32>,
      %swap3A_88 = vector.shape_cast %swap3A_87 : vector<1x16xf32> to vector<16xf32>
      %swap3A_89 = vector.shape_cast %broadcast_in_dim3A_0 : vector<16xf32> to vector<1x16xf32>
      tpu.vector_store %arg9[%swap3A_85, %swap3A_86], %swap3A_89 {strides = array<i32>} : memref<128x128xf32, #tpu.memory_space<vmem>>, vector<1x16xf32>,
      %swap3A_90 = arith.index_cast %scan3A_75 : i32 to index
      %swap3A_91 = arith.constant 48 : index
      %swap3A_92 = tpu.vector_load %arg9[%swap3A_90, %swap3A_91] {strides = array<i32>} : memref<128x128xf32, #tpu.memory_space<vmem>>, vector<1x16xf32>,
      %swap3A_93 = vector.shape_cast %swap3A_92 : vector<1x16xf32> to vector<16xf32>
      %swap3A_94 = vector.shape_cast %broadcast_in_dim3A_0 : vector<16xf32> to vector<1x16xf32>
      tpu.vector_store %arg9[%swap3A_90, %swap3A_91], %swap3A_94 {strides = array<i32>} : memref<128x128xf32, #tpu.memory_space<vmem>>, vector<1x16xf32>,
      %swap3A_95 = arith.index_cast %scan3A_75 : i32 to index
      %swap3A_96 = arith.constant 64 : index
      %swap3A_97 = tpu.vector_load %arg9[%swap3A_95, %swap3A_96] {strides = array<i32>} : memref<128x128xf32, #tpu.memory_space<vmem>>, vector<1x16xf32>,
      %swap3A_98 = vector.shape_cast %swap3A_97 : vector<1x16xf32> to vector<16xf32>
      %swap3A_99 = vector.shape_cast %broadcast_in_dim3A_0 : vector<16xf32> to vector<1x16xf32>
      tpu.vector_store %arg9[%swap3A_95, %swap3A_96], %swap3A_99 {strides = array<i32>} : memref<128x128xf32, #tpu.memory_space<vmem>>, vector<1x16xf32>,
      %swap3A_100 = arith.index_cast %scan3A_75 : i32 to index
      %swap3A_101 = arith.constant 80 : index
      %swap3A_102 = tpu.vector_load %arg9[%swap3A_100, %swap3A_101] {strides = array<i32>} : memref<128x128xf32, #tpu.memory_space<vmem>>, vector<1x16xf32>,
      %swap3A_103 = vector.shape_cast %swap3A_102 : vector<1x16xf32> to vector<16xf32>
      %swap3A_104 = vector.shape_cast %broadcast_in_dim3A_0 : vector<16xf32> to vector<1x16xf32>
      tpu.vector_store %arg9[%swap3A_100, %swap3A_101], %swap3A_104 {strides = array<i32>} : memref<128x128xf32, #tpu.memory_space<vmem>>, vector<1x16xf32>,
      %swap3A_105 = arith.index_cast %scan3A_75 : i32 to index
      %swap3A_106 = arith.constant 96 : index
      %swap3A_107 = tpu.vector_load %arg9[%swap3A_105, %swap3A_106] {strides = array<i32>} : memref<128x128xf32, #tpu.memory_space<vmem>>, vector<1x16xf32>,
      %swap3A_108 = vector.shape_cast %swap3A_107 : vector<1x16xf32> to vector<16xf32>
      %swap3A_109 = vector.shape_cast %broadcast_in_dim3A_0 : vector<16xf32> to vector<1x16xf32>
      tpu.vector_store %arg9[%swap3A_105, %swap3A_106], %swap3A_109 {strides = array<i32>} : memref<128x128xf32, #tpu.memory_space<vmem>>, vector<1x16xf32>,
      %swap3A_110 = arith.index_cast %scan3A_75 : i32 to index
      %swap3A_111 = arith.constant 112 : index
      %swap3A_112 = tpu.vector_load %arg9[%swap3A_110, %swap3A_111] {strides = array<i32>} : memref<128x128xf32, #tpu.memory_space<vmem>>, vector<1x16xf32>,
      %swap3A_113 = vector.shape_cast %swap3A_112 : vector<1x16xf32> to vector<16xf32>
      %swap3A_114 = vector.shape_cast %broadcast_in_dim3A_0 : vector<16xf32> to vector<1x16xf32>
      tpu.vector_store %arg9[%swap3A_110, %swap3A_111], %swap3A_114 {strides = array<i32>} : memref<128x128xf32, #tpu.memory_space<vmem>>, vector<1x16xf32>,
    }
    %scan3A_5 = arith.constant 128 : i32
    %mul3A = arith.constant 640 : i32
    %mul3A_6 = arith.muli %arg1, %mul3A : i32
    %add3A = arith.constant 0 : i32
    %add3A_7 = arith.addi %mul3A_6, %add3A : i32
    "tpu.region"() ({
      %run_scoped3A = tpu.sem_alloc : memref<!tpu.dma_semaphore, #tpu.memory_space<semaphore_mem>>
      %dma_start3A_75 = arith.constant 0 : i32
      %dma_start3A_76 = tpu.memref_slice %arg11[%add3A_7, %dma_start3A_75] : memref<10240x128xf32, #tpu.memory_space<vmem_shared>> -> memref<128x128xf32, #tpu.memory_space<vmem_shared>>
      %dma_start3A_77 = arith.constant 0 : i32
      %dma_start3A_78 = tpu.memref_slice %arg11[%add3A_7, %dma_start3A_77] : memref<10240x128xf32, #tpu.memory_space<vmem_shared>> -> memref<128x128xf32, #tpu.memory_space<vmem_shared>>
      tpu.enqueue_dma source(%arg9 : memref<128x128xf32, #tpu.memory_space<vmem>>) target(%dma_start3A_78 : memref<128x128xf32, #tpu.memory_space<vmem_shared>>) target_semaphore(%run_scoped3A : memref<!tpu.dma_semaphore, #tpu.memory_space<semaphore_mem>>)
      %dma_wait3A_79 = arith.constant 0 : i32
      %dma_wait3A_80 = tpu.memref_slice %arg11[%add3A_7, %dma_wait3A_79] : memref<10240x128xf32, #tpu.memory_space<vmem_shared>> -> memref<128x128xf32, #tpu.memory_space<vmem_shared>>
      %dma_wait3A_81 = arith.constant 0 : i32
      %dma_wait3A_82 = tpu.memref_slice %arg11[%add3A_7, %dma_wait3A_81] : memref<10240x128xf32, #tpu.memory_space<vmem_shared>> -> memref<128x128xf32, #tpu.memory_space<vmem_shared>>
      tpu.wait_dma2 semaphore(%run_scoped3A : memref<!tpu.dma_semaphore, #tpu.memory_space<semaphore_mem>>) src(%arg9 : memref<128x128xf32, #tpu.memory_space<vmem>>) dst(%dma_wait3A_82 : memref<128x128xf32, #tpu.memory_space<vmem_shared>>)
      tpu.yield
    }) : () -> ()
    %mul3A_8 = arith.constant 640 : i32
    %mul3A_9 = arith.muli %arg1, %mul3A_8 : i32
    %add3A_10 = arith.constant 128 : i32
    %add3A_11 = arith.addi %mul3A_9, %add3A_10 : i32
    "tpu.region"() ({
      %run_scoped3A = tpu.sem_alloc : memref<!tpu.dma_semaphore, #tpu.memory_space<semaphore_mem>>
      %dma_start3A_75 = arith.constant 0 : i32
      %dma_start3A_76 = tpu.memref_slice %arg11[%add3A_11, %dma_start3A_75] : memref<10240x128xf32, #tpu.memory_space<vmem_shared>> -> memref<128x128xf32, #tpu.memory_space<vmem_shared>>
      %dma_start3A_77 = arith.constant 0 : i32
      %dma_start3A_78 = tpu.memref_slice %arg11[%add3A_11, %dma_start3A_77] : memref<10240x128xf32, #tpu.memory_space<vmem_shared>> -> memref<128x128xf32, #tpu.memory_space<vmem_shared>>
      tpu.enqueue_dma source(%arg9 : memref<128x128xf32, #tpu.memory_space<vmem>>) target(%dma_start3A_78 : memref<128x128xf32, #tpu.memory_space<vmem_shared>>) target_semaphore(%run_scoped3A : memref<!tpu.dma_semaphore, #tpu.memory_space<semaphore_mem>>)
      %dma_wait3A_79 = arith.constant 0 : i32
      %dma_wait3A_80 = tpu.memref_slice %arg11[%add3A_11, %dma_wait3A_79] : memref<10240x128xf32, #tpu.memory_space<vmem_shared>> -> memref<128x128xf32, #tpu.memory_space<vmem_shared>>
      %dma_wait3A_81 = arith.constant 0 : i32
      %dma_wait3A_82 = tpu.memref_slice %arg11[%add3A_11, %dma_wait3A_81] : memref<10240x128xf32, #tpu.memory_space<vmem_shared>> -> memref<128x128xf32, #tpu.memory_space<vmem_shared>>
      tpu.wait_dma2 semaphore(%run_scoped3A : memref<!tpu.dma_semaphore, #tpu.memory_space<semaphore_mem>>) src(%arg9 : memref<128x128xf32, #tpu.memory_space<vmem>>) dst(%dma_wait3A_82 : memref<128x128xf32, #tpu.memory_space<vmem_shared>>)
      tpu.yield
    }) : () -> ()
    %mul3A_12 = arith.constant 640 : i32
    %mul3A_13 = arith.muli %arg1, %mul3A_12 : i32
    %add3A_14 = arith.constant 256 : i32
    %add3A_15 = arith.addi %mul3A_13, %add3A_14 : i32
    "tpu.region"() ({
      %run_scoped3A = tpu.sem_alloc : memref<!tpu.dma_semaphore, #tpu.memory_space<semaphore_mem>>
      %dma_start3A_75 = arith.constant 0 : i32
      %dma_start3A_76 = tpu.memref_slice %arg11[%add3A_15, %dma_start3A_75] : memref<10240x128xf32, #tpu.memory_space<vmem_shared>> -> memref<128x128xf32, #tpu.memory_space<vmem_shared>>
      %dma_start3A_77 = arith.constant 0 : i32
      %dma_start3A_78 = tpu.memref_slice %arg11[%add3A_15, %dma_start3A_77] : memref<10240x128xf32, #tpu.memory_space<vmem_shared>> -> memref<128x128xf32, #tpu.memory_space<vmem_shared>>
      tpu.enqueue_dma source(%arg9 : memref<128x128xf32, #tpu.memory_space<vmem>>) target(%dma_start3A_78 : memref<128x128xf32, #tpu.memory_space<vmem_shared>>) target_semaphore(%run_scoped3A : memref<!tpu.dma_semaphore, #tpu.memory_space<semaphore_mem>>)
      %dma_wait3A_79 = arith.constant 0 : i32
      %dma_wait3A_80 = tpu.memref_slice %arg11[%add3A_15, %dma_wait3A_79] : memref<10240x128xf32, #tpu.memory_space<vmem_shared>> -> memref<128x128xf32, #tpu.memory_space<vmem_shared>>
      %dma_wait3A_81 = arith.constant 0 : i32
      %dma_wait3A_82 = tpu.memref_slice %arg11[%add3A_15, %dma_wait3A_81] : memref<10240x128xf32, #tpu.memory_space<vmem_shared>> -> memref<128x128xf32, #tpu.memory_space<vmem_shared>>
      tpu.wait_dma2 semaphore(%run_scoped3A : memref<!tpu.dma_semaphore, #tpu.memory_space<semaphore_mem>>) src(%arg9 : memref<128x128xf32, #tpu.memory_space<vmem>>) dst(%dma_wait3A_82 : memref<128x128xf32, #tpu.memory_space<vmem_shared>>)
      tpu.yield
    }) : () -> ()
    %mul3A_16 = arith.constant 640 : i32
    %mul3A_17 = arith.muli %arg1, %mul3A_16 : i32
    %add3A_18 = arith.constant 384 : i32
    %add3A_19 = arith.addi %mul3A_17, %add3A_18 : i32
    "tpu.region"() ({
      %run_scoped3A = tpu.sem_alloc : memref<!tpu.dma_semaphore, #tpu.memory_space<semaphore_mem>>
      %dma_start3A_75 = arith.constant 0 : i32
      %dma_start3A_76 = tpu.memref_slice %arg11[%add3A_19, %dma_start3A_75] : memref<10240x128xf32, #tpu.memory_space<vmem_shared>> -> memref<128x128xf32, #tpu.memory_space<vmem_shared>>
      %dma_start3A_77 = arith.constant 0 : i32
      %dma_start3A_78 = tpu.memref_slice %arg11[%add3A_19, %dma_start3A_77] : memref<10240x128xf32, #tpu.memory_space<vmem_shared>> -> memref<128x128xf32, #tpu.memory_space<vmem_shared>>
      tpu.enqueue_dma source(%arg9 : memref<128x128xf32, #tpu.memory_space<vmem>>) target(%dma_start3A_78 : memref<128x128xf32, #tpu.memory_space<vmem_shared>>) target_semaphore(%run_scoped3A : memref<!tpu.dma_semaphore, #tpu.memory_space<semaphore_mem>>)
      %dma_wait3A_79 = arith.constant 0 : i32
      %dma_wait3A_80 = tpu.memref_slice %arg11[%add3A_19, %dma_wait3A_79] : memref<10240x128xf32, #tpu.memory_space<vmem_shared>> -> memref<128x128xf32, #tpu.memory_space<vmem_shared>>
      %dma_wait3A_81 = arith.constant 0 : i32
      %dma_wait3A_82 = tpu.memref_slice %arg11[%add3A_19, %dma_wait3A_81] : memref<10240x128xf32, #tpu.memory_space<vmem_shared>> -> memref<128x128xf32, #tpu.memory_space<vmem_shared>>
      tpu.wait_dma2 semaphore(%run_scoped3A : memref<!tpu.dma_semaphore, #tpu.memory_space<semaphore_mem>>) src(%arg9 : memref<128x128xf32, #tpu.memory_space<vmem>>) dst(%dma_wait3A_82 : memref<128x128xf32, #tpu.memory_space<vmem_shared>>)
      tpu.yield
    }) : () -> ()
    %mul3A_20 = arith.constant 640 : i32
    %mul3A_21 = arith.muli %arg1, %mul3A_20 : i32
    %add3A_22 = arith.constant 512 : i32
    %add3A_23 = arith.addi %mul3A_21, %add3A_22 : i32
    "tpu.region"() ({
      %run_scoped3A = tpu.sem_alloc : memref<!tpu.dma_semaphore, #tpu.memory_space<semaphore_mem>>
      %dma_start3A_75 = arith.constant 0 : i32
      %dma_start3A_76 = tpu.memref_slice %arg11[%add3A_23, %dma_start3A_75] : memref<10240x128xf32, #tpu.memory_space<vmem_shared>> -> memref<128x128xf32, #tpu.memory_space<vmem_shared>>
      %dma_start3A_77 = arith.constant 0 : i32
      %dma_start3A_78 = tpu.memref_slice %arg11[%add3A_23, %dma_start3A_77] : memref<10240x128xf32, #tpu.memory_space<vmem_shared>> -> memref<128x128xf32, #tpu.memory_space<vmem_shared>>
      tpu.enqueue_dma source(%arg9 : memref<128x128xf32, #tpu.memory_space<vmem>>) target(%dma_start3A_78 : memref<128x128xf32, #tpu.memory_space<vmem_shared>>) target_semaphore(%run_scoped3A : memref<!tpu.dma_semaphore, #tpu.memory_space<semaphore_mem>>)
      %dma_wait3A_79 = arith.constant 0 : i32
      %dma_wait3A_80 = tpu.memref_slice %arg11[%add3A_23, %dma_wait3A_79] : memref<10240x128xf32, #tpu.memory_space<vmem_shared>> -> memref<128x128xf32, #tpu.memory_space<vmem_shared>>
      %dma_wait3A_81 = arith.constant 0 : i32
      %dma_wait3A_82 = tpu.memref_slice %arg11[%add3A_23, %dma_wait3A_81] : memref<10240x128xf32, #tpu.memory_space<vmem_shared>> -> memref<128x128xf32, #tpu.memory_space<vmem_shared>>
      tpu.wait_dma2 semaphore(%run_scoped3A : memref<!tpu.dma_semaphore, #tpu.memory_space<semaphore_mem>>) src(%arg9 : memref<128x128xf32, #tpu.memory_space<vmem>>) dst(%dma_wait3A_82 : memref<128x128xf32, #tpu.memory_space<vmem_shared>>)
      tpu.yield
    }) : () -> ()
    "tpu.region"() ({
      %run_scoped3A = tpu.sem_alloc : memref<!tpu.dma_semaphore, #tpu.memory_space<semaphore_mem>>
      %dma_start3A_75 = arith.constant 0 : i32
      %dma_start3A_76 = arith.constant 0 : i32
      %dma_start3A_77 = tpu.memref_slice %arg3[%arg0, %arg1, %dma_start3A_75, %dma_start3A_76] : memref<2x16x82x128xi32, #tpu.memory_space<hbm>> -> memref<1x1x82x128xi32, #tpu.memory_space<hbm>>
      %dma_start3A_78 = tpu.memref_squeeze %dma_start3A_77 : memref<1x1x82x128xi32, #tpu.memory_space<hbm>> -> memref<82x128xi32, #tpu.memory_space<hbm>>
      %dma_start3A_79 = arith.constant 0 : i32
      %dma_start3A_80 = arith.constant 0 : i32
      %dma_start3A_81 = tpu.memref_slice %arg3[%arg0, %arg1, %dma_start3A_79, %dma_start3A_80] : memref<2x16x82x128xi32, #tpu.memory_space<hbm>> -> memref<1x1x82x128xi32, #tpu.memory_space<hbm>>
      %dma_start3A_82 = tpu.memref_squeeze %dma_start3A_81 : memref<1x1x82x128xi32, #tpu.memory_space<hbm>> -> memref<82x128xi32, #tpu.memory_space<hbm>>
      tpu.enqueue_dma source(%dma_start3A_82 : memref<82x128xi32, #tpu.memory_space<hbm>>) target(%arg6 : memref<82x128xi32, #tpu.memory_space<vmem>>) target_semaphore(%run_scoped3A : memref<!tpu.dma_semaphore, #tpu.memory_space<semaphore_mem>>)
      %dma_wait3A_83 = arith.constant 0 : i32
      %dma_wait3A_84 = arith.constant 0 : i32
      %dma_wait3A_85 = tpu.memref_slice %arg3[%arg0, %arg1, %dma_wait3A_83, %dma_wait3A_84] : memref<2x16x82x128xi32, #tpu.memory_space<hbm>> -> memref<1x1x82x128xi32, #tpu.memory_space<hbm>>
      %dma_wait3A_86 = tpu.memref_squeeze %dma_wait3A_85 : memref<1x1x82x128xi32, #tpu.memory_space<hbm>> -> memref<82x128xi32, #tpu.memory_space<hbm>>
      %dma_wait3A_87 = arith.constant 0 : i32
      %dma_wait3A_88 = arith.constant 0 : i32
      %dma_wait3A_89 = tpu.memref_slice %arg3[%arg0, %arg1, %dma_wait3A_87, %dma_wait3A_88] : memref<2x16x82x128xi32, #tpu.memory_space<hbm>> -> memref<1x1x82x128xi32, #tpu.memory_space<hbm>>
      %dma_wait3A_90 = tpu.memref_squeeze %dma_wait3A_89 : memref<1x1x82x128xi32, #tpu.memory_space<hbm>> -> memref<82x128xi32, #tpu.memory_space<hbm>>
      tpu.wait_dma2 semaphore(%run_scoped3A : memref<!tpu.dma_semaphore, #tpu.memory_space<semaphore_mem>>) src(%dma_wait3A_90 : memref<82x128xi32, #tpu.memory_space<hbm>>) dst(%arg6 : memref<82x128xi32, #tpu.memory_space<vmem>>)
      tpu.yield
    }) : () -> ()
    %barrier3A = arith.constant 0 : index
    tpu.barrier barrier_id(%barrier3A)
    %dma_start3A = arith.constant 0 : i32
    %dma_start3A_24 = arith.constant 0 : i32
    %dma_start3A_25 = tpu.memref_slice %arg4[%arg0, %arg1, %dma_start3A, %dma_start3A_24] : memref<2x16x82x128xi32, #tpu.memory_space<hbm>> -> memref<1x1x1x128xi32, #tpu.memory_space<hbm>>
    %dma_start3A_26 = tpu.memref_squeeze %dma_start3A_25 : memref<1x1x1x128xi32, #tpu.memory_space<hbm>> -> memref<128xi32, #tpu.memory_space<hbm>>
    %dma_start3A_27 = arith.constant 0 : i32
    %dma_start3A_28 = tpu.memref_slice %arg4[%arg0, %arg1, %dma_start3A, %dma_start3A_27] : memref<2x16x82x128xi32, #tpu.memory_space<hbm>> -> memref<1x1x1x128xi32, #tpu.memory_space<hbm>>
    %dma_start3A_29 = tpu.memref_squeeze %dma_start3A_28 : memref<1x1x1x128xi32, #tpu.memory_space<hbm>> -> memref<128xi32, #tpu.memory_space<hbm>>
    tpu.enqueue_dma source(%dma_start3A_29 : memref<128xi32, #tpu.memory_space<hbm>>) target(%arg7 : memref<128xi32, #tpu.memory_space<vmem>>) target_semaphore(%arg14 : memref<!tpu.dma_semaphore, #tpu.memory_space<semaphore_mem>>)
    %dma_start3A_30 = arith.constant 0 : i32
    %dma_start3A_31 = arith.constant 0 : i32
    %dma_start3A_32 = tpu.memref_slice %arg6[%dma_start3A_30, %dma_start3A_31] : memref<82x128xi32, #tpu.memory_space<vmem>> -> memref<1x128xi32, #tpu.memory_space<vmem>>
    %dma_start3A_33 = tpu.memref_squeeze %dma_start3A_32 : memref<1x128xi32, #tpu.memory_space<vmem>> -> memref<128xi32, #tpu.memory_space<vmem>>
    %dma_start3A_34 = arith.constant 0 : i32
    %dma_start3A_35 = arith.constant 0 : i32
    %dma_start3A_36 = tpu.memref_slice %arg2[%dma_start3A_34, %dma_start3A_35] : memref<10000x128xf32, #tpu.memory_space<hbm>> -> memref<10000x128xf32, #tpu.memory_space<hbm>>
    tpu.enqueue_indirect_dma source(%dma_start3A_36 : memref<10000x128xf32, #tpu.memory_space<hbm>>) target(%arg9 : memref<128x128xf32, #tpu.memory_space<vmem>>) offsets(%dma_start3A_33 : memref<128xi32, #tpu.memory_space<vmem>>) semaphore(%arg12 : memref<!tpu.dma_semaphore, #tpu.memory_space<semaphore_mem>>)
    %dma_start3A_37 = arith.constant 1 : i32
    %dma_start3A_38 = arith.constant 0 : i32
    %dma_start3A_39 = tpu.memref_slice %arg6[%dma_start3A_37, %dma_start3A_38] : memref<82x128xi32, #tpu.memory_space<vmem>> -> memref<1x128xi32, #tpu.memory_space<vmem>>
    %dma_start3A_40 = tpu.memref_squeeze %dma_start3A_39 : memref<1x128xi32, #tpu.memory_space<vmem>> -> memref<128xi32, #tpu.memory_space<vmem>>
    %dma_start3A_41 = arith.constant 0 : i32
    %dma_start3A_42 = arith.constant 0 : i32
    %dma_start3A_43 = tpu.memref_slice %arg2[%dma_start3A_41, %dma_start3A_42] : memref<10000x128xf32, #tpu.memory_space<hbm>> -> memref<10000x128xf32, #tpu.memory_space<hbm>>
    tpu.enqueue_indirect_dma source(%dma_start3A_43 : memref<10000x128xf32, #tpu.memory_space<hbm>>) target(%arg10 : memref<128x128xf32, #tpu.memory_space<vmem>>) offsets(%dma_start3A_40 : memref<128xi32, #tpu.memory_space<vmem>>) semaphore(%arg13 : memref<!tpu.dma_semaphore, #tpu.memory_space<semaphore_mem>>)
    %scan3A_44 = arith.constant 0 : i32
    %scan3A_45 = arith.constant 0 : i32
    %scan3A_46 = arith.constant 40 : i32
    %scan3A_47 = arith.addi %scan3A_45, %scan3A_46 : i32
    %scan3A_48 = arith.constant 1 : i32
    scf.for %scan3A_75 = %scan3A_45 to %scan3A_47 step %scan3A_48  : i32 {
      %mul3A_76 = arith.constant 2 : i32
      %mul3A_77 = arith.muli %mul3A_76, %scan3A_75 : i32
      %add3A_78 = arith.constant 1 : i32
      %add3A_79 = arith.addi %mul3A_77, %add3A_78 : i32
      %dma_start3A_80 = arith.constant 0 : i32
      %dma_start3A_81 = tpu.memref_slice %arg4[%arg0, %arg1, %add3A_79, %dma_start3A_80] : memref<2x16x82x128xi32, #tpu.memory_space<hbm>> -> memref<1x1x1x128xi32, #tpu.memory_space<hbm>>
      %dma_start3A_82 = tpu.memref_squeeze %dma_start3A_81 : memref<1x1x1x128xi32, #tpu.memory_space<hbm>> -> memref<128xi32, #tpu.memory_space<hbm>>
      %dma_start3A_83 = arith.constant 0 : i32
      %dma_start3A_84 = tpu.memref_slice %arg4[%arg0, %arg1, %add3A_79, %dma_start3A_83] : memref<2x16x82x128xi32, #tpu.memory_space<hbm>> -> memref<1x1x1x128xi32, #tpu.memory_space<hbm>>
      %dma_start3A_85 = tpu.memref_squeeze %dma_start3A_84 : memref<1x1x1x128xi32, #tpu.memory_space<hbm>> -> memref<128xi32, #tpu.memory_space<hbm>>
      tpu.enqueue_dma source(%dma_start3A_85 : memref<128xi32, #tpu.memory_space<hbm>>) target(%arg8 : memref<128xi32, #tpu.memory_space<vmem>>) target_semaphore(%arg15 : memref<!tpu.dma_semaphore, #tpu.memory_space<semaphore_mem>>)
      %dma_wait3A_86 = arith.constant 0 : i32
      %dma_wait3A_87 = tpu.memref_slice %arg6[%mul3A_77, %dma_wait3A_86] : memref<82x128xi32, #tpu.memory_space<vmem>> -> memref<1x128xi32, #tpu.memory_space<vmem>>
      %dma_wait3A_88 = tpu.memref_squeeze %dma_wait3A_87 : memref<1x128xi32, #tpu.memory_space<vmem>> -> memref<128xi32, #tpu.memory_space<vmem>>
      %dma_wait3A_89 = arith.constant 0 : i32
      %dma_wait3A_90 = arith.constant 0 : i32
      %dma_wait3A_91 = tpu.memref_slice %arg2[%dma_wait3A_89, %dma_wait3A_90] : memref<10000x128xf32, #tpu.memory_space<hbm>> -> memref<10000x128xf32, #tpu.memory_space<hbm>>
      tpu.wait_indirect_dma semaphore(%arg12 : memref<!tpu.dma_semaphore, #tpu.memory_space<semaphore_mem>>) src(%dma_wait3A_91 : memref<10000x128xf32, #tpu.memory_space<hbm>>) dst(%arg9 : memref<128x128xf32, #tpu.memory_space<vmem>>)
      %dma_wait3A_92 = arith.constant 0 : i32
      %dma_wait3A_93 = tpu.memref_slice %arg4[%arg0, %arg1, %mul3A_77, %dma_wait3A_92] : memref<2x16x82x128xi32, #tpu.memory_space<hbm>> -> memref<1x1x1x128xi32, #tpu.memory_space<hbm>>
      %dma_wait3A_94 = tpu.memref_squeeze %dma_wait3A_93 : memref<1x1x1x128xi32, #tpu.memory_space<hbm>> -> memref<128xi32, #tpu.memory_space<hbm>>
      %dma_wait3A_95 = arith.constant 0 : i32
      %dma_wait3A_96 = tpu.memref_slice %arg4[%arg0, %arg1, %mul3A_77, %dma_wait3A_95] : memref<2x16x82x128xi32, #tpu.memory_space<hbm>> -> memref<1x1x1x128xi32, #tpu.memory_space<hbm>>
      %dma_wait3A_97 = tpu.memref_squeeze %dma_wait3A_96 : memref<1x1x1x128xi32, #tpu.memory_space<hbm>> -> memref<128xi32, #tpu.memory_space<hbm>>
      tpu.wait_dma2 semaphore(%arg14 : memref<!tpu.dma_semaphore, #tpu.memory_space<semaphore_mem>>) src(%dma_wait3A_97 : memref<128xi32, #tpu.memory_space<hbm>>) dst(%arg7 : memref<128xi32, #tpu.memory_space<vmem>>)
      "tpu.region"() ({
        %run_scoped3A = tpu.sem_alloc : memref<!tpu.dma_semaphore, #tpu.memory_space<semaphore_mem>>
        %dma_start3A_134 = arith.constant 0 : i32
        %dma_start3A_135 = arith.constant 0 : i32
        %dma_start3A_136 = tpu.memref_slice %arg11[%dma_start3A_134, %dma_start3A_135] : memref<10240x128xf32, #tpu.memory_space<vmem_shared>> -> memref<10240x128xf32, #tpu.memory_space<vmem_shared>>
        tpu.enqueue_indirect_dma source(%arg9 : memref<128x128xf32, #tpu.memory_space<vmem>>) target(%dma_start3A_136 : memref<10240x128xf32, #tpu.memory_space<vmem_shared>>) offsets(%arg7 : memref<128xi32, #tpu.memory_space<vmem>>) semaphore(%run_scoped3A : memref<!tpu.dma_semaphore, #tpu.memory_space<semaphore_mem>>) {add = true}
        %dma_wait3A_137 = arith.constant 0 : i32
        %dma_wait3A_138 = arith.constant 0 : i32
        %dma_wait3A_139 = tpu.memref_slice %arg11[%dma_wait3A_137, %dma_wait3A_138] : memref<10240x128xf32, #tpu.memory_space<vmem_shared>> -> memref<10240x128xf32, #tpu.memory_space<vmem_shared>>
        tpu.wait_indirect_dma semaphore(%run_scoped3A : memref<!tpu.dma_semaphore, #tpu.memory_space<semaphore_mem>>) src(%arg9 : memref<128x128xf32, #tpu.memory_space<vmem>>) dst(%dma_wait3A_139 : memref<10240x128xf32, #tpu.memory_space<vmem_shared>>)
        tpu.yield
      }) : () -> ()
      %add3A_98 = arith.constant 2 : i32
      %add3A_99 = arith.addi %mul3A_77, %add3A_98 : i32
      %dma_start3A_100 = arith.constant 0 : i32
      %dma_start3A_101 = tpu.memref_slice %arg6[%add3A_99, %dma_start3A_100] : memref<82x128xi32, #tpu.memory_space<vmem>> -> memref<1x128xi32, #tpu.memory_space<vmem>>
      %dma_start3A_102 = tpu.memref_squeeze %dma_start3A_101 : memref<1x128xi32, #tpu.memory_space<vmem>> -> memref<128xi32, #tpu.memory_space<vmem>>
      %dma_start3A_103 = arith.constant 0 : i32
      %dma_start3A_104 = arith.constant 0 : i32
      %dma_start3A_105 = tpu.memref_slice %arg2[%dma_start3A_103, %dma_start3A_104] : memref<10000x128xf32, #tpu.memory_space<hbm>> -> memref<10000x128xf32, #tpu.memory_space<hbm>>
      tpu.enqueue_indirect_dma source(%dma_start3A_105 : memref<10000x128xf32, #tpu.memory_space<hbm>>) target(%arg9 : memref<128x128xf32, #tpu.memory_space<vmem>>) offsets(%dma_start3A_102 : memref<128xi32, #tpu.memory_space<vmem>>) semaphore(%arg12 : memref<!tpu.dma_semaphore, #tpu.memory_space<semaphore_mem>>)
      %add3A_106 = arith.constant 1 : i32
      %add3A_107 = arith.addi %add3A_79, %add3A_106 : i32
      %dma_start3A_108 = arith.constant 0 : i32
      %dma_start3A_109 = tpu.memref_slice %arg4[%arg0, %arg1, %add3A_107, %dma_start3A_108] : memref<2x16x82x128xi32, #tpu.memory_space<hbm>> -> memref<1x1x1x128xi32, #tpu.memory_space<hbm>>
      %dma_start3A_110 = tpu.memref_squeeze %dma_start3A_109 : memref<1x1x1x128xi32, #tpu.memory_space<hbm>> -> memref<128xi32, #tpu.memory_space<hbm>>
      %dma_start3A_111 = arith.constant 0 : i32
      %dma_start3A_112 = tpu.memref_slice %arg4[%arg0, %arg1, %add3A_107, %dma_start3A_111] : memref<2x16x82x128xi32, #tpu.memory_space<hbm>> -> memref<1x1x1x128xi32, #tpu.memory_space<hbm>>
      %dma_start3A_113 = tpu.memref_squeeze %dma_start3A_112 : memref<1x1x1x128xi32, #tpu.memory_space<hbm>> -> memref<128xi32, #tpu.memory_space<hbm>>
      tpu.enqueue_dma source(%dma_start3A_113 : memref<128xi32, #tpu.memory_space<hbm>>) target(%arg7 : memref<128xi32, #tpu.memory_space<vmem>>) target_semaphore(%arg14 : memref<!tpu.dma_semaphore, #tpu.memory_space<semaphore_mem>>)
      %dma_wait3A_114 = arith.constant 0 : i32
      %dma_wait3A_115 = tpu.memref_slice %arg6[%add3A_79, %dma_wait3A_114] : memref<82x128xi32, #tpu.memory_space<vmem>> -> memref<1x128xi32, #tpu.memory_space<vmem>>
      %dma_wait3A_116 = tpu.memref_squeeze %dma_wait3A_115 : memref<1x128xi32, #tpu.memory_space<vmem>> -> memref<128xi32, #tpu.memory_space<vmem>>
      %dma_wait3A_117 = arith.constant 0 : i32
      %dma_wait3A_118 = arith.constant 0 : i32
      %dma_wait3A_119 = tpu.memref_slice %arg2[%dma_wait3A_117, %dma_wait3A_118] : memref<10000x128xf32, #tpu.memory_space<hbm>> -> memref<10000x128xf32, #tpu.memory_space<hbm>>
      tpu.wait_indirect_dma semaphore(%arg13 : memref<!tpu.dma_semaphore, #tpu.memory_space<semaphore_mem>>) src(%dma_wait3A_119 : memref<10000x128xf32, #tpu.memory_space<hbm>>) dst(%arg10 : memref<128x128xf32, #tpu.memory_space<vmem>>)
      %dma_wait3A_120 = arith.constant 0 : i32
      %dma_wait3A_121 = tpu.memref_slice %arg4[%arg0, %arg1, %add3A_79, %dma_wait3A_120] : memref<2x16x82x128xi32, #tpu.memory_space<hbm>> -> memref<1x1x1x128xi32, #tpu.memory_space<hbm>>
      %dma_wait3A_122 = tpu.memref_squeeze %dma_wait3A_121 : memref<1x1x1x128xi32, #tpu.memory_space<hbm>> -> memref<128xi32, #tpu.memory_space<hbm>>
      %dma_wait3A_123 = arith.constant 0 : i32
      %dma_wait3A_124 = tpu.memref_slice %arg4[%arg0, %arg1, %add3A_79, %dma_wait3A_123] : memref<2x16x82x128xi32, #tpu.memory_space<hbm>> -> memref<1x1x1x128xi32, #tpu.memory_space<hbm>>
      %dma_wait3A_125 = tpu.memref_squeeze %dma_wait3A_124 : memref<1x1x1x128xi32, #tpu.memory_space<hbm>> -> memref<128xi32, #tpu.memory_space<hbm>>
      tpu.wait_dma2 semaphore(%arg15 : memref<!tpu.dma_semaphore, #tpu.memory_space<semaphore_mem>>) src(%dma_wait3A_125 : memref<128xi32, #tpu.memory_space<hbm>>) dst(%arg8 : memref<128xi32, #tpu.memory_space<vmem>>)
      "tpu.region"() ({
        %run_scoped3A = tpu.sem_alloc : memref<!tpu.dma_semaphore, #tpu.memory_space<semaphore_mem>>
        %dma_start3A_134 = arith.constant 0 : i32
        %dma_start3A_135 = arith.constant 0 : i32
        %dma_start3A_136 = tpu.memref_slice %arg11[%dma_start3A_134, %dma_start3A_135] : memref<10240x128xf32, #tpu.memory_space<vmem_shared>> -> memref<10240x128xf32, #tpu.memory_space<vmem_shared>>
        tpu.enqueue_indirect_dma source(%arg10 : memref<128x128xf32, #tpu.memory_space<vmem>>) target(%dma_start3A_136 : memref<10240x128xf32, #tpu.memory_space<vmem_shared>>) offsets(%arg8 : memref<128xi32, #tpu.memory_space<vmem>>) semaphore(%run_scoped3A : memref<!tpu.dma_semaphore, #tpu.memory_space<semaphore_mem>>) {add = true}
        %dma_wait3A_137 = arith.constant 0 : i32
        %dma_wait3A_138 = arith.constant 0 : i32
        %dma_wait3A_139 = tpu.memref_slice %arg11[%dma_wait3A_137, %dma_wait3A_138] : memref<10240x128xf32, #tpu.memory_space<vmem_shared>> -> memref<10240x128xf32, #tpu.memory_space<vmem_shared>>
        tpu.wait_indirect_dma semaphore(%run_scoped3A : memref<!tpu.dma_semaphore, #tpu.memory_space<semaphore_mem>>) src(%arg10 : memref<128x128xf32, #tpu.memory_space<vmem>>) dst(%dma_wait3A_139 : memref<10240x128xf32, #tpu.memory_space<vmem_shared>>)
        tpu.yield
      }) : () -> ()
      %add3A_126 = arith.constant 2 : i32
      %add3A_127 = arith.addi %add3A_79, %add3A_126 : i32
      %dma_start3A_128 = arith.constant 0 : i32
      %dma_start3A_129 = tpu.memref_slice %arg6[%add3A_127, %dma_start3A_128] : memref<82x128xi32, #tpu.memory_space<vmem>> -> memref<1x128xi32, #tpu.memory_space<vmem>>
      %dma_start3A_130 = tpu.memref_squeeze %dma_start3A_129 : memref<1x128xi32, #tpu.memory_space<vmem>> -> memref<128xi32, #tpu.memory_space<vmem>>
      %dma_start3A_131 = arith.constant 0 : i32
      %dma_start3A_132 = arith.constant 0 : i32
      %dma_start3A_133 = tpu.memref_slice %arg2[%dma_start3A_131, %dma_start3A_132] : memref<10000x128xf32, #tpu.memory_space<hbm>> -> memref<10000x128xf32, #tpu.memory_space<hbm>>
      tpu.enqueue_indirect_dma source(%dma_start3A_133 : memref<10000x128xf32, #tpu.memory_space<hbm>>) target(%arg10 : memref<128x128xf32, #tpu.memory_space<vmem>>) offsets(%dma_start3A_130 : memref<128xi32, #tpu.memory_space<vmem>>) semaphore(%arg13 : memref<!tpu.dma_semaphore, #tpu.memory_space<semaphore_mem>>)
    }
    %scan3A_49 = arith.constant 40 : i32
    %dma_wait3A = arith.constant 80 : i32
    %dma_wait3A_50 = arith.constant 0 : i32
    %dma_wait3A_51 = tpu.memref_slice %arg6[%dma_wait3A, %dma_wait3A_50] : memref<82x128xi32, #tpu.memory_space<vmem>> -> memref<1x128xi32, #tpu.memory_space<vmem>>
    %dma_wait3A_52 = tpu.memref_squeeze %dma_wait3A_51 : memref<1x128xi32, #tpu.memory_space<vmem>> -> memref<128xi32, #tpu.memory_space<vmem>>
    %dma_wait3A_53 = arith.constant 0 : i32
    %dma_wait3A_54 = arith.constant 0 : i32
    %dma_wait3A_55 = tpu.memref_slice %arg2[%dma_wait3A_53, %dma_wait3A_54] : memref<10000x128xf32, #tpu.memory_space<hbm>> -> memref<10000x128xf32, #tpu.memory_space<hbm>>
    tpu.wait_indirect_dma semaphore(%arg12 : memref<!tpu.dma_semaphore, #tpu.memory_space<semaphore_mem>>) src(%dma_wait3A_55 : memref<10000x128xf32, #tpu.memory_space<hbm>>) dst(%arg9 : memref<128x128xf32, #tpu.memory_space<vmem>>)
    %dma_wait3A_56 = arith.constant 81 : i32
    %dma_wait3A_57 = arith.constant 0 : i32
    %dma_wait3A_58 = tpu.memref_slice %arg6[%dma_wait3A_56, %dma_wait3A_57] : memref<82x128xi32, #tpu.memory_space<vmem>> -> memref<1x128xi32, #tpu.memory_space<vmem>>
    %dma_wait3A_59 = tpu.memref_squeeze %dma_wait3A_58 : memref<1x128xi32, #tpu.memory_space<vmem>> -> memref<128xi32, #tpu.memory_space<vmem>>
    %dma_wait3A_60 = arith.constant 0 : i32
    %dma_wait3A_61 = arith.constant 0 : i32
    %dma_wait3A_62 = tpu.memref_slice %arg2[%dma_wait3A_60, %dma_wait3A_61] : memref<10000x128xf32, #tpu.memory_space<hbm>> -> memref<10000x128xf32, #tpu.memory_space<hbm>>
    tpu.wait_indirect_dma semaphore(%arg13 : memref<!tpu.dma_semaphore, #tpu.memory_space<semaphore_mem>>) src(%dma_wait3A_62 : memref<10000x128xf32, #tpu.memory_space<hbm>>) dst(%arg10 : memref<128x128xf32, #tpu.memory_space<vmem>>)
    %dma_wait3A_63 = arith.constant 80 : i32
    %dma_wait3A_64 = arith.constant 0 : i32
    %dma_wait3A_65 = tpu.memref_slice %arg4[%arg0, %arg1, %dma_wait3A_63, %dma_wait3A_64] : memref<2x16x82x128xi32, #tpu.memory_space<hbm>> -> memref<1x1x1x128xi32, #tpu.memory_space<hbm>>
    %dma_wait3A_66 = tpu.memref_squeeze %dma_wait3A_65 : memref<1x1x1x128xi32, #tpu.memory_space<hbm>> -> memref<128xi32, #tpu.memory_space<hbm>>
    %dma_wait3A_67 = arith.constant 0 : i32
    %dma_wait3A_68 = tpu.memref_slice %arg4[%arg0, %arg1, %dma_wait3A_63, %dma_wait3A_67] : memref<2x16x82x128xi32, #tpu.memory_space<hbm>> -> memref<1x1x1x128xi32, #tpu.memory_space<hbm>>
    %dma_wait3A_69 = tpu.memref_squeeze %dma_wait3A_68 : memref<1x1x1x128xi32, #tpu.memory_space<hbm>> -> memref<128xi32, #tpu.memory_space<hbm>>
    tpu.wait_dma2 semaphore(%arg14 : memref<!tpu.dma_semaphore, #tpu.memory_space<semaphore_mem>>) src(%dma_wait3A_69 : memref<128xi32, #tpu.memory_space<hbm>>) dst(%arg7 : memref<128xi32, #tpu.memory_space<vmem>>)
    %barrier3A_70 = arith.constant 0 : index
    tpu.barrier barrier_id(%barrier3A_70)
    %mul3A_71 = arith.constant 640 : i32
    %mul3A_72 = arith.muli %arg1, %mul3A_71 : i32
    %mul3A_73 = arith.constant 640 : i32
    %mul3A_74 = arith.muli %arg1, %mul3A_73 : i32
    "tpu.region"() ({
      %run_scoped3A = tpu.sem_alloc : memref<!tpu.dma_semaphore, #tpu.memory_space<semaphore_mem>>
      %dma_start3A_75 = arith.constant 0 : i32
      %dma_start3A_76 = tpu.memref_slice %arg5[%arg0, %mul3A_74, %dma_start3A_75] : memref<2x10240x128xf32, #tpu.memory_space<hbm>> -> memref<1x640x128xf32, #tpu.memory_space<hbm>>
      %dma_start3A_77 = tpu.memref_squeeze %dma_start3A_76 : memref<1x640x128xf32, #tpu.memory_space<hbm>> -> memref<640x128xf32, #tpu.memory_space<hbm>>
      %dma_start3A_78 = arith.constant 0 : i32
      %dma_start3A_79 = tpu.memref_slice %arg11[%mul3A_72, %dma_start3A_78] : memref<10240x128xf32, #tpu.memory_space<vmem_shared>> -> memref<640x128xf32, #tpu.memory_space<vmem_shared>>
      tpu.enqueue_dma source(%dma_start3A_79 : memref<640x128xf32, #tpu.memory_space<vmem_shared>>) target(%dma_start3A_77 : memref<640x128xf32, #tpu.memory_space<hbm>>) target_semaphore(%run_scoped3A : memref<!tpu.dma_semaphore, #tpu.memory_space<semaphore_mem>>)
      %dma_wait3A_80 = arith.constant 0 : i32
      %dma_wait3A_81 = tpu.memref_slice %arg5[%arg0, %mul3A_74, %dma_wait3A_80] : memref<2x10240x128xf32, #tpu.memory_space<hbm>> -> memref<1x640x128xf32, #tpu.memory_space<hbm>>
      %dma_wait3A_82 = tpu.memref_squeeze %dma_wait3A_81 : memref<1x640x128xf32, #tpu.memory_space<hbm>> -> memref<640x128xf32, #tpu.memory_space<hbm>>
      %dma_wait3A_83 = arith.constant 0 : i32
      %dma_wait3A_84 = tpu.memref_slice %arg11[%mul3A_72, %dma_wait3A_83] : memref<10240x128xf32, #tpu.memory_space<vmem_shared>> -> memref<640x128xf32, #tpu.memory_space<vmem_shared>>
      tpu.wait_dma2 semaphore(%run_scoped3A : memref<!tpu.dma_semaphore, #tpu.memory_space<semaphore_mem>>) src(%dma_wait3A_84 : memref<640x128xf32, #tpu.memory_space<vmem_shared>>) dst(%dma_wait3A_82 : memref<640x128xf32, #tpu.memory_space<hbm>>)
      tpu.yield
    }) : () -> ()
    return
  }
}

module attributes {stable_mosaic.version = 14 : i64} {
  func.func @_tc_scale_mm(%arg0: i32, %arg1: memref<2x1000x128xf32, #tpu.memory_space<vmem>>, %arg2: memref<1000x128xf32, #tpu.memory_space<vmem>>, %arg3: memref<128x128xf32, #tpu.memory_space<vmem>>, %arg4: memref<1000x128xf32, #tpu.memory_space<vmem>>) attributes {dimension_semantics = [#tpu.dimension_semantics<arbitrary>], iteration_bounds = array<i64: 10>, scalar_prefetch = 0 : i64, scratch_operands = 0 : i64, tpu.core_type = #tpu.core_type<tc>, window_params = [{transform_indices = @transform_0, window_bounds = array<i64: 2, 1000, 128>}, {transform_indices = @transform_1, window_bounds = array<i64: 1000, 128>}, {pipeline_mode = #tpu.pipeline_mode<synchronous>, transform_indices = @transform_2, window_bounds = array<i64: 128, 128>}, {transform_indices = @transform_3, window_bounds = array<i64: 1000, 128>}]} {
    %get3A = arith.constant 0 : index
    %get3A_0 = arith.constant 0 : index
    %get3A_1 = arith.constant 0 : index
    %get3A_2 = vector.load %arg1[%get3A, %get3A_0, %get3A_1] : memref<2x1000x128xf32, #tpu.memory_space<vmem>>, vector<2x1000x128xf32>
    %slice3A = vector.extract_strided_slice %get3A_2 {offsets = [0, 0, 0], sizes = [1, 1000, 1], strides = [1, 1, 1]} : vector<2x1000x128xf32> to vector<1x1000x1xf32>
    %squeeze3A = vector.shape_cast %slice3A : vector<1x1000x1xf32> to vector<1000x1xf32>
    %slice3A_3 = vector.extract_strided_slice %get3A_2 {offsets = [1, 0, 0], sizes = [1, 1000, 1], strides = [1, 1, 1]} : vector<2x1000x128xf32> to vector<1x1000x1xf32>
    %squeeze3A_4 = vector.shape_cast %slice3A_3 : vector<1x1000x1xf32> to vector<1000x1xf32>
    %add3A = arith.addf %squeeze3A, %squeeze3A_4 : vector<1000x1xf32>
    %add3A_5 = arith.constant 1.000000e+00 : f32
    %add3A_6 = vector.broadcast %add3A_5 : f32 to vector<1000x1xf32>
    %add3A_7 = arith.addf %add3A, %add3A_6 : vector<1000x1xf32>
    %rsqrt3A = math.rsqrt %add3A_7 : vector<1000x1xf32>
    %get3A_8 = arith.constant 0 : index
    %get3A_9 = arith.constant 0 : index
    %get3A_10 = vector.load %arg2[%get3A_8, %get3A_9] : memref<1000x128xf32, #tpu.memory_space<vmem>>, vector<1000x128xf32>
    %get3A_11 = arith.constant 0 : index
    %get3A_12 = arith.constant 0 : index
    %get3A_13 = vector.load %arg3[%get3A_11, %get3A_12] : memref<128x128xf32, #tpu.memory_space<vmem>>, vector<128x128xf32>
    %dot_general3A = arith.constant dense<0.000000e+00> : vector<1000x128xf32>
    %dot_general3A_14 = tpu.matmul %get3A_10, %get3A_13, %dot_general3A {dimension_numbers = #tpu.dot_dimension_numbers<[1], [0], [0], [1], [0, 0, 1, 1], [], []>, transpose_lhs_hint = false} : vector<1000x128xf32>, vector<128x128xf32>, vector<1000x128xf32> -> vector<1000x128xf32>
    %mul3A = vector.broadcast %rsqrt3A : vector<1000x1xf32> to vector<1000x128xf32>
    %mul3A_15 = arith.mulf %dot_general3A_14, %mul3A : vector<1000x128xf32>
    %swap3A = arith.constant 0 : index
    %swap3A_16 = arith.constant 0 : index
    %swap3A_17 = vector.load %arg4[%swap3A, %swap3A_16] : memref<1000x128xf32, #tpu.memory_space<vmem>>, vector<1000x128xf32>
    tpu.vector_store %arg4[%swap3A, %swap3A_16], %mul3A_15 {strides = array<i32>} : memref<1000x128xf32, #tpu.memory_space<vmem>>, vector<1000x128xf32>,
    return
  }
  func.func @transform_0(%arg0: i32) -> (i32, i32, i32) {
    %c0_i32 = arith.constant 0 : i32
    %c0_i32_0 = arith.constant 0 : i32
    %c0_i32_1 = arith.constant 0 : i32
    return %c0_i32, %arg0, %c0_i32_0 : i32, i32, i32
  }
  func.func @transform_1(%arg0: i32) -> (i32, i32) {
    %c0_i32 = arith.constant 0 : i32
    %c0_i32_0 = arith.constant 0 : i32
    return %arg0, %c0_i32 : i32, i32
  }
  func.func @transform_2(%arg0: i32) -> (i32, i32) {
    %c0_i32 = arith.constant 0 : i32
    %c0_i32_0 = arith.constant 0 : i32
    %c0_i32_1 = arith.constant 0 : i32
    return %c0_i32, %c0_i32_0 : i32, i32
  }
  func.func @transform_3(%arg0: i32) -> (i32, i32) {
    %c0_i32 = arith.constant 0 : i32
    %c0_i32_0 = arith.constant 0 : i32
    return %arg0, %c0_i32 : i32, i32
  }
}

module attributes {stable_mosaic.version = 14 : i64} {
  func.func @_tc_layer_mm(%arg0: i32, %arg1: memref<2x1000x128xf32, #tpu.memory_space<vmem>>, %arg2: memref<2x1000x128xf32, #tpu.memory_space<vmem>>, %arg3: memref<1000x128xf32, #tpu.memory_space<vmem>>, %arg4: memref<1x128xf32, #tpu.memory_space<vmem>>, %arg5: memref<128x128xf32, #tpu.memory_space<vmem>>, %arg6: memref<1000x128xf32, #tpu.memory_space<vmem>>) attributes {dimension_semantics = [#tpu.dimension_semantics<arbitrary>], iteration_bounds = array<i64: 10>, scalar_prefetch = 0 : i64, scratch_operands = 0 : i64, tpu.core_type = #tpu.core_type<tc>, window_params = [{transform_indices = @transform_0, window_bounds = array<i64: 2, 1000, 128>}, {transform_indices = @transform_1, window_bounds = array<i64: 2, 1000, 128>}, {transform_indices = @transform_2, window_bounds = array<i64: 1000, 128>}, {pipeline_mode = #tpu.pipeline_mode<synchronous>, transform_indices = @transform_3, window_bounds = array<i64: 1, 128>}, {pipeline_mode = #tpu.pipeline_mode<synchronous>, transform_indices = @transform_4, window_bounds = array<i64: 128, 128>}, {transform_indices = @transform_5, window_bounds = array<i64: 1000, 128>}]} {
    %get3A = arith.constant 0 : index
    %get3A_0 = arith.constant 0 : index
    %get3A_1 = arith.constant 0 : index
    %get3A_2 = vector.load %arg1[%get3A, %get3A_0, %get3A_1] : memref<2x1000x128xf32, #tpu.memory_space<vmem>>, vector<2x1000x128xf32>
    %slice3A = vector.extract_strided_slice %get3A_2 {offsets = [0, 0, 0], sizes = [1, 1000, 1], strides = [1, 1, 1]} : vector<2x1000x128xf32> to vector<1x1000x1xf32>
    %squeeze3A = vector.shape_cast %slice3A : vector<1x1000x1xf32> to vector<1000x1xf32>
    %slice3A_3 = vector.extract_strided_slice %get3A_2 {offsets = [1, 0, 0], sizes = [1, 1000, 1], strides = [1, 1, 1]} : vector<2x1000x128xf32> to vector<1x1000x1xf32>
    %squeeze3A_4 = vector.shape_cast %slice3A_3 : vector<1x1000x1xf32> to vector<1000x1xf32>
    %add3A = arith.addf %squeeze3A, %squeeze3A_4 : vector<1000x1xf32>
    %add3A_5 = arith.constant 1.000000e+00 : f32
    %add3A_6 = vector.broadcast %add3A_5 : f32 to vector<1000x1xf32>
    %add3A_7 = arith.addf %add3A, %add3A_6 : vector<1000x1xf32>
    %rsqrt3A = math.rsqrt %add3A_7 : vector<1000x1xf32>
    %get3A_8 = arith.constant 0 : index
    %get3A_9 = arith.constant 0 : index
    %get3A_10 = arith.constant 0 : index
    %get3A_11 = vector.load %arg2[%get3A_8, %get3A_9, %get3A_10] : memref<2x1000x128xf32, #tpu.memory_space<vmem>>, vector<2x1000x128xf32>
    %slice3A_12 = vector.extract_strided_slice %get3A_11 {offsets = [0, 0, 0], sizes = [1, 1000, 128], strides = [1, 1, 1]} : vector<2x1000x128xf32> to vector<1x1000x128xf32>
    %squeeze3A_13 = vector.shape_cast %slice3A_12 : vector<1x1000x128xf32> to vector<1000x128xf32>
    %slice3A_14 = vector.extract_strided_slice %get3A_11 {offsets = [1, 0, 0], sizes = [1, 1000, 128], strides = [1, 1, 1]} : vector<2x1000x128xf32> to vector<1x1000x128xf32>
    %squeeze3A_15 = vector.shape_cast %slice3A_14 : vector<1x1000x128xf32> to vector<1000x128xf32>
    %add3A_16 = arith.addf %squeeze3A_13, %squeeze3A_15 : vector<1000x128xf32>
    %get3A_17 = arith.constant 0 : index
    %get3A_18 = arith.constant 0 : index
    %get3A_19 = vector.load %arg3[%get3A_17, %get3A_18] : memref<1000x128xf32, #tpu.memory_space<vmem>>, vector<1000x128xf32>
    %add3A_20 = arith.addf %add3A_16, %get3A_19 : vector<1000x128xf32>
    %mul3A = vector.broadcast %rsqrt3A : vector<1000x1xf32> to vector<1000x128xf32>
    %mul3A_21 = arith.mulf %mul3A, %add3A_20 : vector<1000x128xf32>
    %get3A_22 = arith.constant 0 : index
    %get3A_23 = arith.constant 0 : index
    %get3A_24 = vector.load %arg4[%get3A_22, %get3A_23] : memref<1x128xf32, #tpu.memory_space<vmem>>, vector<1x128xf32>
    %add3A_25 = vector.broadcast %get3A_24 : vector<1x128xf32> to vector<1000x128xf32>
    %add3A_26 = arith.addf %mul3A_21, %add3A_25 : vector<1000x128xf32>
    %max3A = arith.constant 0.000000e+00 : f32
    %max3A_27 = vector.broadcast %max3A : f32 to vector<1000x128xf32>
    %max3A_28 = arith.maximumf %add3A_26, %max3A_27 : vector<1000x128xf32>
    %get3A_29 = arith.constant 0 : index
    %get3A_30 = arith.constant 0 : index
    %get3A_31 = vector.load %arg5[%get3A_29, %get3A_30] : memref<128x128xf32, #tpu.memory_space<vmem>>, vector<128x128xf32>
    %dot_general3A = arith.constant dense<0.000000e+00> : vector<1000x128xf32>
    %dot_general3A_32 = tpu.matmul %max3A_28, %get3A_31, %dot_general3A {dimension_numbers = #tpu.dot_dimension_numbers<[1], [0], [0], [1], [0, 0, 1, 1], [], []>, transpose_lhs_hint = false} : vector<1000x128xf32>, vector<128x128xf32>, vector<1000x128xf32> -> vector<1000x128xf32>
    %mul3A_33 = vector.broadcast %rsqrt3A : vector<1000x1xf32> to vector<1000x128xf32>
    %mul3A_34 = arith.mulf %dot_general3A_32, %mul3A_33 : vector<1000x128xf32>
    %swap3A = arith.constant 0 : index
    %swap3A_35 = arith.constant 0 : index
    %swap3A_36 = vector.load %arg6[%swap3A, %swap3A_35] : memref<1000x128xf32, #tpu.memory_space<vmem>>, vector<1000x128xf32>
    tpu.vector_store %arg6[%swap3A, %swap3A_35], %mul3A_34 {strides = array<i32>} : memref<1000x128xf32, #tpu.memory_space<vmem>>, vector<1000x128xf32>,
    return
  }
  func.func @transform_0(%arg0: i32) -> (i32, i32, i32) {
    %c0_i32 = arith.constant 0 : i32
    %c0_i32_0 = arith.constant 0 : i32
    %c0_i32_1 = arith.constant 0 : i32
    return %c0_i32, %arg0, %c0_i32_0 : i32, i32, i32
  }
  func.func @transform_1(%arg0: i32) -> (i32, i32, i32) {
    %c0_i32 = arith.constant 0 : i32
    %c0_i32_0 = arith.constant 0 : i32
    %c0_i32_1 = arith.constant 0 : i32
    return %c0_i32, %arg0, %c0_i32_0 : i32, i32, i32
  }
  func.func @transform_2(%arg0: i32) -> (i32, i32) {
    %c0_i32 = arith.constant 0 : i32
    %c0_i32_0 = arith.constant 0 : i32
    return %arg0, %c0_i32 : i32, i32
  }
  func.func @transform_3(%arg0: i32) -> (i32, i32) {
    %c0_i32 = arith.constant 0 : i32
    %c0_i32_0 = arith.constant 0 : i32
    %c0_i32_1 = arith.constant 0 : i32
    return %c0_i32, %c0_i32_0 : i32, i32
  }
  func.func @transform_4(%arg0: i32) -> (i32, i32) {
    %c0_i32 = arith.constant 0 : i32
    %c0_i32_0 = arith.constant 0 : i32
    %c0_i32_1 = arith.constant 0 : i32
    return %c0_i32, %c0_i32_0 : i32, i32
  }
  func.func @transform_5(%arg0: i32) -> (i32, i32) {
    %c0_i32 = arith.constant 0 : i32
    %c0_i32_0 = arith.constant 0 : i32
    return %arg0, %c0_i32 : i32, i32
  }
}

module attributes {stable_mosaic.version = 14 : i64} {
  func.func @_tc_final(%arg0: i32, %arg1: memref<2x1000x128xf32, #tpu.memory_space<vmem>>, %arg2: memref<2x1000x128xf32, #tpu.memory_space<vmem>>, %arg3: memref<1000x128xf32, #tpu.memory_space<vmem>>, %arg4: memref<1x128xf32, #tpu.memory_space<vmem>>, %arg5: memref<1000x128xf32, #tpu.memory_space<vmem>>) attributes {dimension_semantics = [#tpu.dimension_semantics<arbitrary>], iteration_bounds = array<i64: 10>, scalar_prefetch = 0 : i64, scratch_operands = 0 : i64, tpu.core_type = #tpu.core_type<tc>, window_params = [{transform_indices = @transform_0, window_bounds = array<i64: 2, 1000, 128>}, {transform_indices = @transform_1, window_bounds = array<i64: 2, 1000, 128>}, {transform_indices = @transform_2, window_bounds = array<i64: 1000, 128>}, {pipeline_mode = #tpu.pipeline_mode<synchronous>, transform_indices = @transform_3, window_bounds = array<i64: 1, 128>}, {transform_indices = @transform_4, window_bounds = array<i64: 1000, 128>}]} {
    %get3A = arith.constant 0 : index
    %get3A_0 = arith.constant 0 : index
    %get3A_1 = arith.constant 0 : index
    %get3A_2 = vector.load %arg1[%get3A, %get3A_0, %get3A_1] : memref<2x1000x128xf32, #tpu.memory_space<vmem>>, vector<2x1000x128xf32>
    %slice3A = vector.extract_strided_slice %get3A_2 {offsets = [0, 0, 0], sizes = [1, 1000, 1], strides = [1, 1, 1]} : vector<2x1000x128xf32> to vector<1x1000x1xf32>
    %squeeze3A = vector.shape_cast %slice3A : vector<1x1000x1xf32> to vector<1000x1xf32>
    %slice3A_3 = vector.extract_strided_slice %get3A_2 {offsets = [1, 0, 0], sizes = [1, 1000, 1], strides = [1, 1, 1]} : vector<2x1000x128xf32> to vector<1x1000x1xf32>
    %squeeze3A_4 = vector.shape_cast %slice3A_3 : vector<1x1000x1xf32> to vector<1000x1xf32>
    %add3A = arith.addf %squeeze3A, %squeeze3A_4 : vector<1000x1xf32>
    %add3A_5 = arith.constant 1.000000e+00 : f32
    %add3A_6 = vector.broadcast %add3A_5 : f32 to vector<1000x1xf32>
    %add3A_7 = arith.addf %add3A, %add3A_6 : vector<1000x1xf32>
    %rsqrt3A = math.rsqrt %add3A_7 : vector<1000x1xf32>
    %get3A_8 = arith.constant 0 : index
    %get3A_9 = arith.constant 0 : index
    %get3A_10 = arith.constant 0 : index
    %get3A_11 = vector.load %arg2[%get3A_8, %get3A_9, %get3A_10] : memref<2x1000x128xf32, #tpu.memory_space<vmem>>, vector<2x1000x128xf32>
    %slice3A_12 = vector.extract_strided_slice %get3A_11 {offsets = [0, 0, 0], sizes = [1, 1000, 128], strides = [1, 1, 1]} : vector<2x1000x128xf32> to vector<1x1000x128xf32>
    %squeeze3A_13 = vector.shape_cast %slice3A_12 : vector<1x1000x128xf32> to vector<1000x128xf32>
    %slice3A_14 = vector.extract_strided_slice %get3A_11 {offsets = [1, 0, 0], sizes = [1, 1000, 128], strides = [1, 1, 1]} : vector<2x1000x128xf32> to vector<1x1000x128xf32>
    %squeeze3A_15 = vector.shape_cast %slice3A_14 : vector<1x1000x128xf32> to vector<1000x128xf32>
    %add3A_16 = arith.addf %squeeze3A_13, %squeeze3A_15 : vector<1000x128xf32>
    %get3A_17 = arith.constant 0 : index
    %get3A_18 = arith.constant 0 : index
    %get3A_19 = vector.load %arg3[%get3A_17, %get3A_18] : memref<1000x128xf32, #tpu.memory_space<vmem>>, vector<1000x128xf32>
    %add3A_20 = arith.addf %add3A_16, %get3A_19 : vector<1000x128xf32>
    %mul3A = vector.broadcast %rsqrt3A : vector<1000x1xf32> to vector<1000x128xf32>
    %mul3A_21 = arith.mulf %mul3A, %add3A_20 : vector<1000x128xf32>
    %get3A_22 = arith.constant 0 : index
    %get3A_23 = arith.constant 0 : index
    %get3A_24 = vector.load %arg4[%get3A_22, %get3A_23] : memref<1x128xf32, #tpu.memory_space<vmem>>, vector<1x128xf32>
    %add3A_25 = vector.broadcast %get3A_24 : vector<1x128xf32> to vector<1000x128xf32>
    %add3A_26 = arith.addf %mul3A_21, %add3A_25 : vector<1000x128xf32>
    %swap3A = arith.constant 0 : index
    %swap3A_27 = arith.constant 0 : index
    %swap3A_28 = vector.load %arg5[%swap3A, %swap3A_27] : memref<1000x128xf32, #tpu.memory_space<vmem>>, vector<1000x128xf32>
    tpu.vector_store %arg5[%swap3A, %swap3A_27], %add3A_26 {strides = array<i32>} : memref<1000x128xf32, #tpu.memory_space<vmem>>, vector<1000x128xf32>,
    return
  }
  func.func @transform_0(%arg0: i32) -> (i32, i32, i32) {
    %c0_i32 = arith.constant 0 : i32
    %c0_i32_0 = arith.constant 0 : i32
    %c0_i32_1 = arith.constant 0 : i32
    return %c0_i32, %arg0, %c0_i32_0 : i32, i32, i32
  }
  func.func @transform_1(%arg0: i32) -> (i32, i32, i32) {
    %c0_i32 = arith.constant 0 : i32
    %c0_i32_0 = arith.constant 0 : i32
    %c0_i32_1 = arith.constant 0 : i32
    return %c0_i32, %arg0, %c0_i32_0 : i32, i32, i32
  }
  func.func @transform_2(%arg0: i32) -> (i32, i32) {
    %c0_i32 = arith.constant 0 : i32
    %c0_i32_0 = arith.constant 0 : i32
    return %arg0, %c0_i32 : i32, i32
  }
  func.func @transform_3(%arg0: i32) -> (i32, i32) {
    %c0_i32 = arith.constant 0 : i32
    %c0_i32_0 = arith.constant 0 : i32
    %c0_i32_1 = arith.constant 0 : i32
    return %c0_i32, %c0_i32_0 : i32, i32
  }
  func.func @transform_4(%arg0: i32) -> (i32, i32) {
    %c0_i32 = arith.constant 0 : i32
    %c0_i32_0 = arith.constant 0 : i32
    return %arg0, %c0_i32 : i32, i32
  }
}

</mosaic_0001>

<sc_bundles>
// kernel: kernel.11.cloned.1.call-start
scs
__scs_entry_jumppad:
0x0: {  	(pc) =	sbr.rel $0x88, $3  }
0x1: {  	(tag) =	ssettag $0x0;
	lr =	simm.s32 $0x1  }
0x2: {  	[smem:$0x3F9B] =	sst lr;
	_ =	strace $0xD0000000  }
0x3: {  	_ = 	snop  }
0x4: {  	_ = 	snop  }
0x5: {  	_ = 	snop  }
0x6: {  	_ = 	snop  }
0x7: {  	_ = 	snop  }
__scs_overlays_trampoline_lowered:
0x8: {  	[smem:$0x3FAA] =	sst s0  }
0x9: {  	[smem:$0x3FAB] =	sst s1  }
0xa: {  	[smem:$0x3FAC] =	sst s2  }
0xb: {  	[smem:$0x3FAD] =	sst s3  }
0xc: {  	[smem:$0x3FAE] =	sst s4  }
0xd: {  	[smem:$0x3FAF] =	sst s5  }
0xe: {  	[smem:$0x3FB0] =	sst s6  }
0xf: {  	[smem:$0x3FB1] =	sst s7  }
0x10: {  	[smem:$0x3FB2] =	sst s8  }
0x11: {  	[smem:$0x3FB3] =	sst s9;
	s0 =	simm.s32 @!p0 $0x0  }
0x12: {  	s1 =	sld [smem:$0x3F99];
	s0 =	simm.s32 @p0 $0x1  }
0x13: {  	[smem:$0x3FB4] =	sst s0;
	s0 =	simm.s32 @!p1 $0x0  }
0x14: {  	s2 =	sld [smem:$0x3F98];
	s0 =	simm.s32 @p1 $0x1  }
0x15: {  	[smem:$0x3FB5] =	sst s0;
	s0 =	simm.s32 @!p2 $0x0  }
0x16: {  	s3 =	sld [smem:$0x3FDB];
	s0 =	simm.s32 @p2 $0x1  }
0x17: {  	s4 =	simm.s32 $0x1BF5;
	[smem:$0x3FB7] =	sst s0  }
0x18: {  	s0 =	sld [smem:$0x3F9A];
	_ =	swait.ge [sflag:s4], $0x0  }
0x19: {  	s7 =	sld [smem:$0x3F9B]  }
0x1a: {  	s8 =	sadd.s32 $0xFFFFE003, lr  }
0x1b: {  	s9 =	sadd.s32 $0xFFFFFEF7, lr;
	s5 =	simm.s32 $0xFFFFFFFF;
	p2 =	slt.u32 s8, $0xFFFFF086  }
0x1c: {  	p1 =	slt.u32 s9, $0xF7A;
	s5 =	simm.s32 @!p2 $0x0  }
0x1d: {  	s5 =	simm.s32 @p1 $0x1;
	p0 =	seq.s32 s7, s2  }
0x1e: {  	s7 =	smul.u32 @!p0 $0xF7A, s2;
	p2 =	seq.s32 @!p0 s5, $0x0  }
0x1f: {  	s9 =	smul.u32 $0xF7A, s1;
	s8 =	simm.s32 @!p0 $0x1BF5;
	p2 =	por !p2, p0  }
0x20: {  	[sflag:s8] =	ssyncset.s32 @!p0 $0xFFFFF086;
	s6 =	sadd.s32 @!p0 s3, s7;
	s7 =	simm.s32 @!p0 $0x108  }
0x21: {  	s3 =	sadd.s32 s3, s9;
	s6 =	sadd.s32 @!p0 $0x88, s6;
	s7 =	simm.s32 @p2 $0x1082  }
0x22: {  	[simem:s7], [sflag:s8] =	dma.local @!p0 [hbm:s6], $0xF7A  }
0x23: {  	s9 =	sor.u32 $0xD0000000, s2;
	s6 =	simm.s32 $0x108;
	_ =	swait.ge @!p0 [sflag:s8], $0x0  }
0x24: {  	s3 =	sadd.s32 $0x88, s3;
	s6 =	simm.s32 @!p1 $0x1082;
	[sflag:s4] =	ssyncset.s32 $0xFFFFF086  }
0x25: {  	[simem:s6], [sflag:s4] =	dma.local [hbm:s3], $0xF7A  }
0x26: {  	[smem:$0x3F9B] =	sst s1;
	(tag) =	ssettag s2;
	_ =	strace s9  }
0x27: {  	s1 =	sld [smem:$0x3FAB]  }
0x28: {  	s2 =	sld [smem:$0x3FAC]  }
0x29: {  	s4 =	sld [smem:$0x3FAE]  }
0x2a: {  	p0 =	seq.s32 s5, $0x0;
	s5 =	sld [smem:$0x3FAF]  }
0x2b: {  	s6 =	sld [smem:$0x3FB0]  }
0x2c: {  	s7 =	sld [smem:$0x3FB1]  }
0x2d: {  	s3 =	simm.s32 $0x108;
	s8 =	sld [smem:$0x3FB2]  }
0x2e: {  	s3 =	simm.s32 @!p0 $0x1082;
	s9 =	sld [smem:$0x3FB3]  }
0x2f: {  	lr =	sadd.s32 s0, s3;
	s0 =	sld [smem:$0x3FAA]  }
0x30: {  	s3 =	sld [smem:$0x3FAD]  }
0x31: {  	[smem:$0x3FB6] =	sst s10  }
0x32: {  	s10 =	sld [smem:$0x3FB4];
	_ =	sdelay $0x3  }
0x33: {  	p0 =	seq.s32 s10, $0x1;
	s10 =	sld [smem:$0x3FB6];
	_ =	sdelay $0x3  }
0x34: {  	[smem:$0x3FB6] =	sst s10  }
0x35: {  	s10 =	sld [smem:$0x3FB5];
	_ =	sdelay $0x3  }
0x36: {  	p1 =	seq.s32 s10, $0x1;
	s10 =	sld [smem:$0x3FB6];
	_ =	sdelay $0x3  }
0x37: {  	[smem:$0x3FB6] =	sst s10  }
0x38: {  	s10 =	sld [smem:$0x3FB7]  }
0x39: {  	_ = 	snop;
	(pc) =	sbr.ind lr, $3  }
0x3a: {  	_ = 	snop  }
0x3b: {  	_ = 	snop  }
0x3c: {  	p2 =	seq.s32 s10, $0x1;
	s10 =	sld [smem:$0x3FB6]  }
0x3d: {  	_ =	shalt  }
0x3e: {  	_ =	shalt  }
0x3f: {  	_ =	shalt  }
0x40: {  	_ =	shalt  }
0x41: {  	_ =	shalt  }
0x42: {  	_ =	shalt  }
0x43: {  	_ =	shalt  }
0x44: {  	_ =	shalt  }
0x45: {  	_ =	shalt  }
0x46: {  	_ =	shalt  }
0x47: {  	_ =	shalt  }
0x48: {  	_ =	shalt  }
0x49: {  	_ =	shalt  }
0x4a: {  	_ =	shalt  }
0x4b: {  	_ =	shalt  }
0x4c: {  	_ =	shalt  }
0x4d: {  	_ =	shalt  }
0x4e: {  	_ =	shalt  }
0x4f: {  	_ =	shalt  }
0x50: {  	_ =	shalt  }
0x51: {  	_ =	shalt  }
0x52: {  	_ =	shalt  }
0x53: {  	_ =	shalt  }
0x54: {  	_ =	shalt  }
0x55: {  	_ =	shalt  }
0x56: {  	_ =	shalt  }
0x57: {  	_ =	shalt  }
0x58: {  	_ =	shalt  }
0x59: {  	_ =	shalt  }
0x5a: {  	_ =	shalt  }
0x5b: {  	_ =	shalt  }
0x5c: {  	_ =	shalt  }
0x5d: {  	_ =	shalt  }
0x5e: {  	_ =	shalt  }
0x5f: {  	_ =	shalt  }
0x60: {  	_ =	shalt  }
0x61: {  	_ =	shalt  }
0x62: {  	_ =	shalt  }
0x63: {  	_ =	shalt  }
0x64: {  	_ =	shalt  }
0x65: {  	_ =	shalt  }
0x66: {  	_ =	shalt  }
0x67: {  	_ =	shalt  }
0x68: {  	_ =	shalt  }
0x69: {  	_ =	shalt  }
0x6a: {  	_ =	shalt  }
0x6b: {  	_ =	shalt  }
0x6c: {  	_ =	shalt  }
0x6d: {  	_ =	shalt  }
0x6e: {  	_ =	shalt  }
0x6f: {  	_ =	shalt  }
0x70: {  	_ =	shalt  }
0x71: {  	_ =	shalt  }
0x72: {  	_ =	shalt  }
0x73: {  	_ =	shalt  }
0x74: {  	_ =	shalt  }
0x75: {  	_ =	shalt  }
0x76: {  	_ =	shalt  }
0x77: {  	_ =	shalt  }
0x78: {  	_ =	shalt  }
0x79: {  	_ =	shalt  }
0x7a: {  	_ =	shalt  }
0x7b: {  	_ =	shalt  }
0x7c: {  	_ =	shalt  }
0x7d: {  	_ =	shalt  }
0x7e: {  	_ =	shalt  }
0x7f: {  	_ =	shalt  }
0x80: {  	_ =	shalt  }
0x81: {  	_ =	shalt  }
0x82: {  	_ =	shalt  }
0x83: {  	_ =	shalt  }
0x84: {  	_ =	shalt  }
0x85: {  	_ =	shalt  }
0x86: {  	_ =	shalt  }
0x87: {  	_ =	shalt  }
.Lfunc_end0:
.L_simem_size_0:
called_computation.1_lowered:
.L_overlay_start_0:
0x88: {  	s2 =	sld [smem:$0x3FD9]  }
0x89: {  	s3 =	sld [smem:$0x3FFE];
	_ =	sdelay $0x1  }
0x8a: {  	s1 =	srdreg.scid  }
0x8b: {  	s0 =	sand.u32 $0x1, s1  }
0x8c: {  	s17 =	sshll.u32 s0, $0xA;
	s2 =	sadd.s32 s3, s2  }
0x8d: {  	s2 =	sadd.s32 s2, s17  }
0x8e: {  	[smem:$0x3FC2] =	sst s2  }
0x8f: {  	_ = 	snop  }
0x90: {  	s2 =	sld [smem:$0x3FD0];
	(tm) =	ssettm $0x1  }
0x91: {  	s18 =	sld [smem:$0x3FFB];
	_ =	sdelay $0x3  }
0x92: {  	_ =	strace s18  }
0x93: {  	s3 =	sld [smem:$0x3FFC];
	_ =	sdelay $0x3  }
0x94: {  	_ =	strace s3  }
0x95: {  	s3 =	sld [smem:$0x3FFD];
	_ =	sdelay $0x3  }
0x96: {  	_ =	strace s3  }
0x97: {  	_ =	strace $0x8FFFFFFF  }
0x98: {  	s19 =	sld [smem:$0x3FDB];
	_ =	sdelay $0x1  }
0x99: {  	s4 =	simm.s32 $_scs_section_size  }
0x9a: {  	s5 =	simm.s32 $_size__tile_overlayer_lowered;
	s6 =	simm.s32 $_tile_overlayer_lowered  }
0x9b: {  	s22 =	simm.s32 $0x1BFF;
	s21 =	sshll.u32 s6, $0x1;
	s3 =	sadd.s32 s4, s19  }
0x9c: {  	s7 =	simm.s32 $0x0;
	s20 =	sshll.u32 s5, $0x1;
	s5 =	sadd.s32 s21, s3  }
0x9d: {  	[timem:s7], [sflag:s22] =	dma.local [hbm:s5], s20  }
0x9e: {  	_ =	swait.ge [sflag:s22], s20  }
0x9f: {  	s4 =	ssub.s32 $0x0, s20;
	[sflag:s22] =	ssyncset.done $0x0  }
0xa0: {  	[sflag:s22] =	ssyncadd.s32 s4;
	_ =	sdelay $0x1  }
0xa1: {  	s23 =	simm.s32 $0x1B8B  }
0xa2: {  	_ =	swait.ge [sflag:s23], $0x1  }
0xa3: {  	[sflag:s23] =	ssyncset.done $0x0  }
0xa4: {  	s25 =	simm.s32 $0x1B8E;
	s24 =	sld [smem:$0x3FFE];
	[sflag:s23] =	ssyncadd.s32 $0xFFFFFFFF  }
0xa5: {  	s26 =	simm.s32 $execute0_lowered;
	[smem:$0x3FD2] =	sst s25  }
0xa6: {  	s5 =	sshll.u32 s26, $0x1;
	_ =	strace $0x80000049;
	[dreg:$0x1] =	wrdreg $0xFFFFFFFF  }
0xa7: {  	s28 =	simm.s32 $_size_execute0_lowered;
	s3 =	sadd.s32 s3, s5;
	[dreg:$0x0] =	wrdreg $0x0  }
0xa8: {  	s5 =	sshll.u32 s28, $0x1;
	[dreg:$0x2] =	wrdreg s3  }
0xa9: {  	[dreg:$0x3] =	wrdreg s5  }
0xaa: {  	[dreg:$0x4] =	wrdreg $0xC0  }
0xab: {  	_ =	task [dreg:s7], $0x5FFFF  }
0xac: {  	[dreg:$0x1] =	wrdreg $0xFFFFFFFF  }
0xad: {  	[dreg:$0x0] =	wrdreg $0x60  }
0xae: {  	[dreg:$0x2] =	wrdreg s2  }
0xaf: {  	[dreg:$0x3] =	wrdreg s24  }
0xb0: {  	[dreg:$0x4] =	wrdreg $0xAD000  }
0xb1: {  	[dreg:$0x5] =	wrdreg $0x9  }
0xb2: {  	_ =	task.clear_ibuf [dreg:s7], $0x6FFFF;
	_ =	strace $0x90000049  }
0xb3: {  	s29 =	simm.s32 $0x9;
	_ =	strace $0x8000004B  }
0xb4: {  	_ =	swait.ge [sflag:s29], $0x1  }
0xb5: {  	[sflag:s29] =	ssyncadd.s32 $0xFFFFFFFF  }
0xb6: {  	_ =	strace $0x9000004B  }
0xb7: {  	_ =	sfence  }
0xb8: {  	s30 =	sld [smem:$0x0];
	_ =	sdelay $0x2  }
0xb9: {  	s31 =	sshll.u32 s1, $0xD;
	s1 =	sshrl.u32 s1, $0x2  }
0xba: {  	s3 =	sand.u32 $0x4000, s31;
	s1 =	sadd.s32 s1, s30  }
0xbb: {  	s0 =	sor.u32 s3, s0;
	s1 =	sshll.u32 s1, $0x11  }
0xbc: {  	s0 =	sor.u32 s1, s0  }
0xbd: {  	s0 =	sadd.s32 $0x8F2B, s0  }
0xbe: {  	[sflag:s0] =	ssyncadd.remote.s32 $0x1  }
0xbf: {  	_ =	sfence.sel $0xFFFF  }
0xc0: {  	[dreg:$0x0] =	wrdreg $0xFFFFFFFF;
	(pc) =	sbr.abs _section_cstart, $3  }
0xc1: {  	[dreg:$0x1] =	wrdreg $0xFFFFFFFF  }
0xc2: {  	_ =	task.clear_ibuf [dreg:s7], $0x2FFFF;
	_ =	strace $0x9FFFFFFF  }
0xc3: {  	(tm) =	ssettm $0x7FFFFFFF  }
tec
execute0_lowered:
.L_overlay_start_1:
0x0: {  	(tag) =	ssettag $0x1  }
0x1: {  	s1 =	rddreg [dreg:$0x0];
	s0 =	srdreg.scid  }
0x2: {  	s2 =	rddreg [dreg:$0x1];
	s9 =	stileid.u32  }
0x3: {  	s3 =	rddreg [dreg:$0x2];
	s4 =	simm.s32 $0x0;
	s16 =	simm.s32 $0x2D00  }
0x4: {  	s17 =	simm.s32 $0x5;
	s18 =	simm.s32 $0x2C00;
	s19 =	simm.s32 $0x80  }
0x5: {  	s20 =	simm.s32 $0x6D00;
	s21 =	simm.s32 $0x2C80;
	s6 =	smul.u32 $0x2C00, s9  }
0x6: {  	s22 =	simm.s32 $0x1;
	s23 =	simm.s32 $0x3;
	s8 =	smul.u32 $0x14000, s9  }
0x7: {  	s24 =	simm.s32 $0x2;
	s0 =	sand.u32 $0x1, s0;
	s9 =	smul.u32 $0x50000, s9  }
0x8: {  	s25 =	simm.s32 $0x4;
	s26 =	simm.s32 $0x0;
	s5 =	smul.u32 $0x2C000, s0  }
0x9: {  	[smem:$0x7FF] =	sst s4;
	s7 =	smul.u32 $0x140000, s0;
	s0 =	ssub.s32 $0x2, s0  }
0xa: {  	_ =	strace $0x8000004A;
	s30 =	sshrl.u32 s9, $0x2;
	s10 =	sshrl.u32 s0, $0x1  }
0xb: {  	s5 =	sadd.s32 s6, s5;
	s6 =	sadd.s32 $0x1E00, s2;
	s7 =	sadd.s32 s8, s7  }
0xc: {  	s0 =	ssub.s32 s0, s10;
	s13 =	sshrl.u32 s5, $0x3;
	s31 =	sshrl.u32 s7, $0x3  }
0xd: {  	s7 =	sadd.s32 s30, s3;
	s15 =	smax.u32 s0, $0x1;
	s12 =	sadd.s32 s13, s2  }
0xe: {  	s2 =	sadd.s32 s31, s2;
	s8 =	sadd.s32 $0x4000, s7;
	s9 =	sadd.s32 $0x8000, s7  }
0xf: {  	s10 =	sadd.s32 $0xC000, s7;
	s11 =	sadd.s32 $0x10000, s7;
	s13 =	sadd.s32 s6, s13  }
0x10: {  	v0 =	vimm.f32 $0.0e+00;
	[dreg:$0x4] =	wrdreg s8;
	s12 =	sadd.s32 $0x5CE00, s12;
	s14 =	sadd.s32 $0xCE00, s2  }
.LBB2_1:
0x11: {  	s28 =	simm.s32 $0x0;
	s29 =	simm.s32 $0x200  }
.LBB2_2:
0x12: {  	p0 =	sne.s32 s29, $0xFE00;
	[tilespmem:s28+$0x2D70] =	vst v0  }
0x13: {  	[tilespmem:s28+$0x2D00] =	vst v0  }
0x14: {  	[tilespmem:s28+$0x2D10] =	vst v0  }
.Ltmp0:
0x15: {  	[tilespmem:s28+$0x2D20] =	vst v0;
	(pc) =	sbr.rel @p0 .LBB2_2-.Ltmp0, $4  }
0x16: {  	[tilespmem:s28+$0x2D30] =	vst v0  }
0x17: {  	[tilespmem:s28+$0x2D40] =	vst v0  }
0x18: {  	[tilespmem:s28+$0x2D50] =	vst v0  }
0x19: {  	[tilespmem:s28+$0x2D60] =	vst v0;
	s28 =	sshra.s32 s29, $0x2;
	s29 =	sadd.s32 $0x200, s29  }
0x1a: {  	[tilespmem:s28+$0x2D70] =	vst v0  }
0x1b: {  	[tilespmem:s28+$0x2D00] =	vst v0  }
0x1c: {  	[tilespmem:s28+$0x2D10] =	vst v0  }
0x1d: {  	[tilespmem:s28+$0x2D20] =	vst v0  }
0x1e: {  	[tilespmem:s28+$0x2D30] =	vst v0  }
0x1f: {  	[tilespmem:s28+$0x2D40] =	vst v0  }
0x20: {  	[tilespmem:s28+$0x2D50] =	vst v0  }
0x21: {  	[tilespmem:s28+$0x2D60] =	vst v0  }
0x22: {  	[spmem:s7] =	stream.linear.scatter [tilespmem:s16], [sflag:$0x5], $0x4000, $0x38;
	[tilespmem:$0x1ED00] =	vst v63  }
0x23: {  	_ =	swait.ge [sflag:s17], $0x4000  }
0x24: {  	[sflag:s17] =	ssyncset.done $0x0  }
0x25: {  	s0 =	rddreg [dreg:$0x4];
	[sflag:s17] =	ssyncadd.s32 $0xFFFFC000  }
0x26: {  	[spmem:s0] =	stream.linear.scatter [tilespmem:s16], [sflag:$0x5], $0x4000, $0x38;
	[tilespmem:$0x1ED00] =	vst v63  }
0x27: {  	_ =	swait.ge [sflag:s17], $0x4000  }
0x28: {  	[sflag:s17] =	ssyncset.done $0x0  }
0x29: {  	[sflag:s17] =	ssyncadd.s32 $0xFFFFC000  }
0x2a: {  	[spmem:s9] =	stream.linear.scatter [tilespmem:s16], [sflag:$0x5], $0x4000, $0x38;
	[tilespmem:$0x1ED00] =	vst v63  }
0x2b: {  	_ =	swait.ge [sflag:s17], $0x4000  }
0x2c: {  	[sflag:s17] =	ssyncset.done $0x0  }
0x2d: {  	[sflag:s17] =	ssyncadd.s32 $0xFFFFC000  }
0x2e: {  	[spmem:s10] =	stream.linear.scatter [tilespmem:s16], [sflag:$0x5], $0x4000, $0x38;
	[tilespmem:$0x1ED00] =	vst v63  }
0x2f: {  	_ =	swait.ge [sflag:s17], $0x4000  }
0x30: {  	[sflag:s17] =	ssyncset.done $0x0  }
0x31: {  	[sflag:s17] =	ssyncadd.s32 $0xFFFFC000  }
0x32: {  	[spmem:s11] =	stream.linear.scatter [tilespmem:s16], [sflag:$0x5], $0x4000, $0x38;
	[tilespmem:$0x1ED00] =	vst v63  }
0x33: {  	_ =	swait.ge [sflag:s17], $0x4000  }
0x34: {  	[sflag:s17] =	ssyncset.done $0x0  }
0x35: {  	[sflag:s17] =	ssyncadd.s32 $0xFFFFC000  }
0x36: {  	[tilespmem:s4], [sflag:$0x5] =	stream.linear.gather [hbm4b:s12+s4], $0x2900, $0x38;
	[tilespmem:$0x1ED00] =	vst v63  }
0x37: {  	s8 =	simm.s32 $0x0;
	_ =	swait.ge [sflag:s17], $0x2900  }
0x38: {  	s2 =	sand.u32 $0x3C00, s8;
	[sflag:s17] =	ssyncset.done $0x0  }
0x39: {  	s2 =	sadd.s32 s5, s2;
	s0 =	sand.u32 $0x300, s8;
	[sflag:s17] =	ssyncadd.s32 $0xFFFFD700  }
0x3a: {  	s0 =	sor.u32 s2, s0;
	[bflag:$0x0] =	sbarrier.arrive $0xFFFF  }
0x3b: {  	[tilespmem:s18], [sflag:$0x3] =	stream.linear.gather [hbm4b:s13+s4], $0x80, $0x38;
	[tilespmem:$0x1ED00] =	vst v63  }
0x3c: {  	s0 =	sor.u32 $0x80, s0  }
0x3d: {  	[tilespmem:s16], [sflag:$0x1] =	stream.indirect.gather [hbm4b:s1+s19], $0x80, s4, s19, $0xb8;
	[tilespmem:$0x1ED00] =	vst v63  }
0x3e: {  	s0 =	sshrl.u32 s0, $0x3  }
0x3f: {  	[tilespmem:s20], [sflag:$0x2] =	stream.indirect.gather [hbm4b:s1+s19], $0x80, s19, s19, $0xb8;
	[tilespmem:$0x1ED00] =	vst v63  }
0x40: {  	s0 =	sadd.s32 s6, s0  }
0x41: {  	[tilespmem:s21], [sflag:$0x4] =	stream.linear.gather [hbm4b:s0+s4], $0x80, $0x38;
	[tilespmem:$0x1ED00] =	vst v63  }
0x42: {  	_ =	swait.ge [sflag:s22], $0x4000  }
0x43: {  	[sflag:s22] =	ssyncset.done $0x0  }
0x44: {  	[sflag:s22] =	ssyncadd.s32 $0xFFFFC000  }
0x45: {  	_ =	swait.ge [sflag:s23], $0x80  }
0x46: {  	s0 =	simm.s32 $0x100;
	[sflag:s23] =	ssyncset.done $0x0  }
0x47: {  	s8 =	sand.u32 $0x7C00, s0;
	[sflag:s23] =	ssyncadd.s32 $0xFFFFFF80  }
0x48: {  	[spmem:s3] =	stream.indirect.scatter.add.f32 [tilespmem:s16], [sflag:$0x5], $0x80, s18, s19, $0xb8;
	[tilespmem:$0x1ED00] =	vst v63  }
0x49: {  	s0 =	sand.u32 $0x300, s0;
	s2 =	sadd.s32 s5, s8;
	_ =	swait.ge [sflag:s17], $0x4000  }
0x4a: {  	s0 =	sor.u32 s0, s2;
	[sflag:s17] =	ssyncset.done $0x0  }
0x4b: {  	s28 =	simm.s32 $0x100;
	s0 =	sshrl.u32 s0, $0x3;
	[sflag:s17] =	ssyncadd.s32 $0xFFFFC000  }
0x4c: {  	[tilespmem:s16], [sflag:$0x1] =	stream.indirect.gather [hbm4b:s1+s19], $0x80, s28, s19, $0xb8;
	[tilespmem:$0x1ED00] =	vst v63  }
0x4d: {  	s0 =	sadd.s32 s6, s0  }
0x4e: {  	[tilespmem:s18], [sflag:$0x3] =	stream.linear.gather [hbm4b:s0+s4], $0x80, $0x38;
	[tilespmem:$0x1ED00] =	vst v63  }
0x4f: {  	s30 =	simm.s32 $0x180;
	_ =	swait.ge [sflag:s24], $0x4000  }
0x50: {  	s29 =	simm.s32 $0x200;
	s0 =	simm.s32 $0x100;
	[sflag:s24] =	ssyncset.done $0x0  }
0x51: {  	s31 =	simm.s32 $0x300;
	s8 =	sand.u32 $0x3C00, s0;
	[sflag:s24] =	ssyncadd.s32 $0xFFFFC000  }
0x52: {  	s0 =	sand.u32 $0x300, s0;
	s2 =	sadd.s32 s5, s8;
	_ =	swait.ge [sflag:s25], $0x80  }
0x53: {  	s28 =	simm.s32 $0x280;
	s0 =	sor.u32 s2, s0;
	[sflag:s25] =	ssyncset.done $0x0  }
.LBB2_4:
0x54: {  	s0 =	sor.u32 $0x80, s0  }
0x55: {  	[sflag:s25] =	ssyncadd.s32 $0xFFFFFF80;
	s8 =	smov.u32 s31;
	s2 =	sadd.s32 $0x100, s31  }
0x56: {  	[spmem:s3] =	stream.indirect.scatter.add.f32 [tilespmem:s20], [sflag:$0x5], $0x80, s21, s19, $0xb8;
	[tilespmem:$0x1ED00] =	vst v63  }
0x57: {  	p0 =	sne.s32 s31, $0x2800;
	s0 =	sshrl.u32 s0, $0x3;
	_ =	swait.ge [sflag:s17], $0x4000  }
0x58: {  	s0 =	sadd.s32 s6, s0;
	[sflag:s17] =	ssyncset.done $0x0  }
0x59: {  	[sflag:s17] =	ssyncadd.s32 $0xFFFFC000  }
0x5a: {  	[tilespmem:s20], [sflag:$0x2] =	stream.indirect.gather [hbm4b:s1+s19], $0x80, s30, s19, $0xb8;
	[tilespmem:$0x1ED00] =	vst v63  }
0x5b: {  	s30 =	smov.u32 s28  }
0x5c: {  	[tilespmem:s21], [sflag:$0x4] =	stream.linear.gather [hbm4b:s0+s4], $0x80, $0x38;
	[tilespmem:$0x1ED00] =	vst v63  }
0x5d: {  	_ =	swait.ge [sflag:s22], $0x4000  }
0x5e: {  	[sflag:s22] =	ssyncset.done $0x0  }
0x5f: {  	[sflag:s22] =	ssyncadd.s32 $0xFFFFC000  }
0x60: {  	_ =	swait.ge [sflag:s23], $0x80  }
0x61: {  	[sflag:s23] =	ssyncset.done $0x0  }
0x62: {  	[sflag:s23] =	ssyncadd.s32 $0xFFFFFF80  }
0x63: {  	[spmem:s3] =	stream.indirect.scatter.add.f32 [tilespmem:s16], [sflag:$0x5], $0x80, s18, s19, $0xb8;
	[tilespmem:$0x1ED00] =	vst v63  }
0x64: {  	s0 =	sand.u32 $0x7C00, s29;
	_ =	swait.ge [sflag:s17], $0x4000  }
0x65: {  	s29 =	sand.u32 $0x300, s29;
	s0 =	sadd.s32 s5, s0;
	[sflag:s17] =	ssyncset.done $0x0  }
0x66: {  	s31 =	sadd.s32 $0xFFFFFF80, s28;
	s0 =	sor.u32 s29, s0;
	[sflag:s17] =	ssyncadd.s32 $0xFFFFC000  }
0x67: {  	[tilespmem:s16], [sflag:$0x1] =	stream.indirect.gather [hbm4b:s1+s19], $0x80, s31, s19, $0xb8;
	[tilespmem:$0x1ED00] =	vst v63  }
0x68: {  	s29 =	smov.u32 s8;
	s0 =	sshrl.u32 s0, $0x3  }
0x69: {  	s0 =	sadd.s32 s6, s0  }
0x6a: {  	[tilespmem:s18], [sflag:$0x3] =	stream.linear.gather [hbm4b:s0+s4], $0x80, $0x38;
	[tilespmem:$0x1ED00] =	vst v63  }
.Ltmp1:
0x6b: {  	_ =	swait.ge [sflag:s24], $0x4000;
	(pc) =	sbr.rel @p0 .LBB2_4-.Ltmp1, $4  }
0x6c: {  	s0 =	sadd.s32 $0xFFFFFF00, s29;
	[sflag:s24] =	ssyncset.done $0x0  }
0x6d: {  	s28 =	sadd.s32 $0x100, s28;
	s8 =	sand.u32 $0x3C00, s0;
	[sflag:s24] =	ssyncadd.s32 $0xFFFFC000  }
0x6e: {  	s0 =	sand.u32 $0x300, s0;
	s8 =	sadd.s32 s5, s8;
	_ =	swait.ge [sflag:s25], $0x80  }
0x6f: {  	s31 =	smov.u32 s2;
	s0 =	sor.u32 s8, s0;
	[sflag:s25] =	ssyncset.done $0x0  }
0x70: {  	[sflag:s25] =	ssyncadd.s32 $0xFFFFFF80  }
0x71: {  	[spmem:s3] =	stream.indirect.scatter.add.f32 [tilespmem:s20], [sflag:$0x5], $0x80, s21, s19, $0xb8;
	[tilespmem:$0x1ED00] =	vst v63  }
0x72: {  	_ =	swait.ge [sflag:s17], $0x4000  }
0x73: {  	s0 =	sor.u32 $0x80, s0;
	[sflag:s17] =	ssyncset.done $0x0  }
0x74: {  	s0 =	sshrl.u32 s0, $0x3;
	[sflag:s17] =	ssyncadd.s32 $0xFFFFC000  }
0x75: {  	[tilespmem:s20], [sflag:$0x2] =	stream.indirect.gather [hbm4b:s1+s19], $0x80, s30, s19, $0xb8;
	[tilespmem:$0x1ED00] =	vst v63  }
0x76: {  	s0 =	sadd.s32 s6, s0  }
0x77: {  	[tilespmem:s21], [sflag:$0x4] =	stream.linear.gather [hbm4b:s0+s4], $0x80, $0x38;
	[tilespmem:$0x1ED00] =	vst v63  }
0x78: {  	_ =	swait.ge [sflag:s22], $0x4000  }
0x79: {  	[sflag:s22] =	ssyncset.done $0x0  }
0x7a: {  	[sflag:s22] =	ssyncadd.s32 $0xFFFFC000  }
0x7b: {  	_ =	swait.ge [sflag:s23], $0x80  }
0x7c: {  	[sflag:s23] =	ssyncset.done $0x0  }
0x7d: {  	s8 =	sand.u32 $0x7C00, s29;
	[sflag:s23] =	ssyncadd.s32 $0xFFFFFF80  }
0x7e: {  	[spmem:s3] =	stream.indirect.scatter.add.f32 [tilespmem:s16], [sflag:$0x5], $0x80, s18, s19, $0xb8;
	[tilespmem:$0x1ED00] =	vst v63  }
0x7f: {  	s2 =	sand.u32 $0x300, s29;
	s0 =	sadd.s32 s5, s8;
	_ =	swait.ge [sflag:s17], $0x4000  }
0x80: {  	s0 =	sor.u32 s2, s0;
	[sflag:s17] =	ssyncset.done $0x0  }
0x81: {  	s8 =	sadd.s32 $0xFFFFFF80, s28;
	s0 =	sshrl.u32 s0, $0x3;
	[sflag:s17] =	ssyncadd.s32 $0xFFFFC000  }
0x82: {  	[tilespmem:s16], [sflag:$0x1] =	stream.indirect.gather [hbm4b:s1+s19], $0x80, s8, s19, $0xb8;
	[tilespmem:$0x1ED00] =	vst v63  }
0x83: {  	s0 =	sadd.s32 s6, s0  }
0x84: {  	[tilespmem:s18], [sflag:$0x3] =	stream.linear.gather [hbm4b:s0+s4], $0x80, $0x38;
	[tilespmem:$0x1ED00] =	vst v63  }
0x85: {  	_ =	swait.ge [sflag:s24], $0x4000  }
0x86: {  	[sflag:s24] =	ssyncset.done $0x0  }
0x87: {  	[sflag:s24] =	ssyncadd.s32 $0xFFFFC000  }
0x88: {  	_ =	swait.ge [sflag:s25], $0x80  }
0x89: {  	[sflag:s25] =	ssyncset.done $0x0  }
0x8a: {  	[sflag:s25] =	ssyncadd.s32 $0xFFFFFF80  }
0x8b: {  	[spmem:s3] =	stream.indirect.scatter.add.f32 [tilespmem:s20], [sflag:$0x5], $0x80, s21, s19, $0xb8;
	[tilespmem:$0x1ED00] =	vst v63  }
0x8c: {  	_ =	swait.ge [sflag:s17], $0x4000  }
0x8d: {  	[sflag:s17] =	ssyncset.done $0x0  }
0x8e: {  	[sflag:s17] =	ssyncadd.s32 $0xFFFFC000  }
0x8f: {  	[tilespmem:s20], [sflag:$0x2] =	stream.indirect.gather [hbm4b:s1+s19], $0x80, s28, s19, $0xb8;
	[tilespmem:$0x1ED00] =	vst v63  }
0x90: {  	_ =	swait.ge [sflag:s22], $0x4000  }
0x91: {  	[sflag:s22] =	ssyncset.done $0x0  }
0x92: {  	[sflag:s22] =	ssyncadd.s32 $0xFFFFC000  }
0x93: {  	_ =	swait.ge [sflag:s24], $0x4000  }
0x94: {  	[sflag:s24] =	ssyncset.done $0x0  }
0x95: {  	[sflag:s24] =	ssyncadd.s32 $0xFFFFC000  }
0x96: {  	s31 =	sshrl.u32 s7, $0x3;
	_ =	swait.ge [sflag:s23], $0x80  }
0x97: {  	s26 =	sadd.s32 $0x1, s26;
	s30 =	stileid.u32;
	[sflag:s23] =	ssyncset.done $0x0  }
0x98: {  	p0 =	sne.s32 s26, s15;
	s0 =	sshll.u32 s30, $0x6;
	[sflag:s23] =	ssyncadd.s32 $0xFFFFFF80  }
.Ltmp2:
0x99: {  	s0 =	sor.u32 $0x1C05, s0;
	[bflag:$0x0] =	sbarrier.arrive $0xFFFF;
	(pc) =	sbr.rel @p0 .LBB2_1-.Ltmp2, $4  }
0x9a: {  	[hbm:s14], [sflag:s0] =	dma.local [spmem:s31], $0x2800  }
0x9b: {  	_ =	swait.ge [sflag:s17], $0x2800  }
0x9c: {  	[sflag:s17] =	ssyncset.done $0x0  }
0x9d: {  	[sflag:s17] =	ssyncadd.s32 $0xFFFFD800  }
0x9e: {  	_ =	sfence.sel $0x180000  }
0x9f: {  	[bflag:$0x0] =	sbarrier.arrive $0xFFFF  }
0xa0: {  	_ =	strace $0x9000004A  }
0xa1: {  	s0 =	stileid.u32;
	[bflag:$0x2] =	sbarrier.arrive $0xFFFF  }
0xa2: {  	p0 =	sne.s32 s0, $0x0;
	s0 =	rddreg [dreg:$0x3]  }
0xa3: {  	s0 =	sadd.s32 @!p0 $0x100000, s0  }
0xa4: {  	[sflag:s0] =	ssyncadd.tile.s32 @!p0 $0x1;
	_ =	shalt  }
.Lfunc_end2:
_tile_overlayer_lowered:
.L_overlay_start_2:
0xa5: {  	(tag) =	ssettag $0x2  }
0xa6: {  	s0 =	rddreg [dreg:$0x0];
	s2 =	stileid.u32  }
0xa7: {  	s1 =	rddreg [dreg:$0x1];
	p0 =	sne.s32 s2, $0x0  }
0xa8: {  	s3 =	rddreg [dreg:$0x2];
	[bflag:$0x3] =	sbarrier.arrive $0xFFFF;
	s2 =	simm.s32 @!p0 $0x1C05  }
0xa9: {  	[timem:s3], [sflag:s2] =	dma.local @!p0 [hbm:s0], s1  }
0xaa: {  	s0 =	simm.s32 @!p0 $0x5  }
0xab: {  	_ =	swait.ge @!p0 [sflag:s0], s1  }
0xac: {  	s1 =	ssub.s32 @!p0 $0x0, s1;
	[sflag:s0] =	ssyncset.done @!p0 $0x0  }
0xad: {  	[sflag:s0] =	ssyncadd.s32 @!p0 s1  }
0xae: {  	[bflag:$0x3] =	sbarrier.arrive $0xFFFF  }
0xaf: {  	_ =	shalt  }

// kernel: kernel.14.cloned.1.call-start
scs
__scs_entry_jumppad:
0x0: {  	(pc) =	sbr.rel $0x88, $3  }
0x1: {  	(tag) =	ssettag $0x0;
	lr =	simm.s32 $0x1  }
0x2: {  	[smem:$0x3F9B] =	sst lr;
	_ =	strace $0xD0000000  }
0x3: {  	_ = 	snop  }
0x4: {  	_ = 	snop  }
0x5: {  	_ = 	snop  }
0x6: {  	_ = 	snop  }
0x7: {  	_ = 	snop  }
__scs_overlays_trampoline_lowered:
0x8: {  	[smem:$0x3FAA] =	sst s0  }
0x9: {  	[smem:$0x3FAB] =	sst s1  }
0xa: {  	[smem:$0x3FAC] =	sst s2  }
0xb: {  	[smem:$0x3FAD] =	sst s3  }
0xc: {  	[smem:$0x3FAE] =	sst s4  }
0xd: {  	[smem:$0x3FAF] =	sst s5  }
0xe: {  	[smem:$0x3FB0] =	sst s6  }
0xf: {  	[smem:$0x3FB1] =	sst s7  }
0x10: {  	[smem:$0x3FB2] =	sst s8  }
0x11: {  	[smem:$0x3FB3] =	sst s9;
	s0 =	simm.s32 @!p0 $0x0  }
0x12: {  	s1 =	sld [smem:$0x3F99];
	s0 =	simm.s32 @p0 $0x1  }
0x13: {  	[smem:$0x3FB4] =	sst s0;
	s0 =	simm.s32 @!p1 $0x0  }
0x14: {  	s2 =	sld [smem:$0x3F98];
	s0 =	simm.s32 @p1 $0x1  }
0x15: {  	[smem:$0x3FB5] =	sst s0;
	s0 =	simm.s32 @!p2 $0x0  }
0x16: {  	s3 =	sld [smem:$0x3FDB];
	s0 =	simm.s32 @p2 $0x1  }
0x17: {  	s4 =	simm.s32 $0x1BF5;
	[smem:$0x3FB7] =	sst s0  }
0x18: {  	s0 =	sld [smem:$0x3F9A];
	_ =	swait.ge [sflag:s4], $0x0  }
0x19: {  	s7 =	sld [smem:$0x3F9B]  }
0x1a: {  	s8 =	sadd.s32 $0xFFFFE003, lr  }
0x1b: {  	s9 =	sadd.s32 $0xFFFFFEF7, lr;
	s5 =	simm.s32 $0xFFFFFFFF;
	p2 =	slt.u32 s8, $0xFFFFF086  }
0x1c: {  	p1 =	slt.u32 s9, $0xF7A;
	s5 =	simm.s32 @!p2 $0x0  }
0x1d: {  	s5 =	simm.s32 @p1 $0x1;
	p0 =	seq.s32 s7, s2  }
0x1e: {  	s7 =	smul.u32 @!p0 $0xF7A, s2;
	p2 =	seq.s32 @!p0 s5, $0x0  }
0x1f: {  	s9 =	smul.u32 $0xF7A, s1;
	s8 =	simm.s32 @!p0 $0x1BF5;
	p2 =	por !p2, p0  }
0x20: {  	[sflag:s8] =	ssyncset.s32 @!p0 $0xFFFFF086;
	s6 =	sadd.s32 @!p0 s3, s7;
	s7 =	simm.s32 @!p0 $0x108  }
0x21: {  	s3 =	sadd.s32 s3, s9;
	s6 =	sadd.s32 @!p0 $0x88, s6;
	s7 =	simm.s32 @p2 $0x1082  }
0x22: {  	[simem:s7], [sflag:s8] =	dma.local @!p0 [hbm:s6], $0xF7A  }
0x23: {  	s9 =	sor.u32 $0xD0000000, s2;
	s6 =	simm.s32 $0x108;
	_ =	swait.ge @!p0 [sflag:s8], $0x0  }
0x24: {  	s3 =	sadd.s32 $0x88, s3;
	s6 =	simm.s32 @!p1 $0x1082;
	[sflag:s4] =	ssyncset.s32 $0xFFFFF086  }
0x25: {  	[simem:s6], [sflag:s4] =	dma.local [hbm:s3], $0xF7A  }
0x26: {  	[smem:$0x3F9B] =	sst s1;
	(tag) =	ssettag s2;
	_ =	strace s9  }
0x27: {  	s1 =	sld [smem:$0x3FAB]  }
0x28: {  	s2 =	sld [smem:$0x3FAC]  }
0x29: {  	s4 =	sld [smem:$0x3FAE]  }
0x2a: {  	p0 =	seq.s32 s5, $0x0;
	s5 =	sld [smem:$0x3FAF]  }
0x2b: {  	s6 =	sld [smem:$0x3FB0]  }
0x2c: {  	s7 =	sld [smem:$0x3FB1]  }
0x2d: {  	s3 =	simm.s32 $0x108;
	s8 =	sld [smem:$0x3FB2]  }
0x2e: {  	s3 =	simm.s32 @!p0 $0x1082;
	s9 =	sld [smem:$0x3FB3]  }
0x2f: {  	lr =	sadd.s32 s0, s3;
	s0 =	sld [smem:$0x3FAA]  }
0x30: {  	s3 =	sld [smem:$0x3FAD]  }
0x31: {  	[smem:$0x3FB6] =	sst s10  }
0x32: {  	s10 =	sld [smem:$0x3FB4];
	_ =	sdelay $0x3  }
0x33: {  	p0 =	seq.s32 s10, $0x1;
	s10 =	sld [smem:$0x3FB6];
	_ =	sdelay $0x3  }
0x34: {  	[smem:$0x3FB6] =	sst s10  }
0x35: {  	s10 =	sld [smem:$0x3FB5];
	_ =	sdelay $0x3  }
0x36: {  	p1 =	seq.s32 s10, $0x1;
	s10 =	sld [smem:$0x3FB6];
	_ =	sdelay $0x3  }
0x37: {  	[smem:$0x3FB6] =	sst s10  }
0x38: {  	s10 =	sld [smem:$0x3FB7]  }
0x39: {  	_ = 	snop;
	(pc) =	sbr.ind lr, $3  }
0x3a: {  	_ = 	snop  }
0x3b: {  	_ = 	snop  }
0x3c: {  	p2 =	seq.s32 s10, $0x1;
	s10 =	sld [smem:$0x3FB6]  }
0x3d: {  	_ =	shalt  }
0x3e: {  	_ =	shalt  }
0x3f: {  	_ =	shalt  }
0x40: {  	_ =	shalt  }
0x41: {  	_ =	shalt  }
0x42: {  	_ =	shalt  }
0x43: {  	_ =	shalt  }
0x44: {  	_ =	shalt  }
0x45: {  	_ =	shalt  }
0x46: {  	_ =	shalt  }
0x47: {  	_ =	shalt  }
0x48: {  	_ =	shalt  }
0x49: {  	_ =	shalt  }
0x4a: {  	_ =	shalt  }
0x4b: {  	_ =	shalt  }
0x4c: {  	_ =	shalt  }
0x4d: {  	_ =	shalt  }
0x4e: {  	_ =	shalt  }
0x4f: {  	_ =	shalt  }
0x50: {  	_ =	shalt  }
0x51: {  	_ =	shalt  }
0x52: {  	_ =	shalt  }
0x53: {  	_ =	shalt  }
0x54: {  	_ =	shalt  }
0x55: {  	_ =	shalt  }
0x56: {  	_ =	shalt  }
0x57: {  	_ =	shalt  }
0x58: {  	_ =	shalt  }
0x59: {  	_ =	shalt  }
0x5a: {  	_ =	shalt  }
0x5b: {  	_ =	shalt  }
0x5c: {  	_ =	shalt  }
0x5d: {  	_ =	shalt  }
0x5e: {  	_ =	shalt  }
0x5f: {  	_ =	shalt  }
0x60: {  	_ =	shalt  }
0x61: {  	_ =	shalt  }
0x62: {  	_ =	shalt  }
0x63: {  	_ =	shalt  }
0x64: {  	_ =	shalt  }
0x65: {  	_ =	shalt  }
0x66: {  	_ =	shalt  }
0x67: {  	_ =	shalt  }
0x68: {  	_ =	shalt  }
0x69: {  	_ =	shalt  }
0x6a: {  	_ =	shalt  }
0x6b: {  	_ =	shalt  }
0x6c: {  	_ =	shalt  }
0x6d: {  	_ =	shalt  }
0x6e: {  	_ =	shalt  }
0x6f: {  	_ =	shalt  }
0x70: {  	_ =	shalt  }
0x71: {  	_ =	shalt  }
0x72: {  	_ =	shalt  }
0x73: {  	_ =	shalt  }
0x74: {  	_ =	shalt  }
0x75: {  	_ =	shalt  }
0x76: {  	_ =	shalt  }
0x77: {  	_ =	shalt  }
0x78: {  	_ =	shalt  }
0x79: {  	_ =	shalt  }
0x7a: {  	_ =	shalt  }
0x7b: {  	_ =	shalt  }
0x7c: {  	_ =	shalt  }
0x7d: {  	_ =	shalt  }
0x7e: {  	_ =	shalt  }
0x7f: {  	_ =	shalt  }
0x80: {  	_ =	shalt  }
0x81: {  	_ =	shalt  }
0x82: {  	_ =	shalt  }
0x83: {  	_ =	shalt  }
0x84: {  	_ =	shalt  }
0x85: {  	_ =	shalt  }
0x86: {  	_ =	shalt  }
0x87: {  	_ =	shalt  }
.Lfunc_end0:
.L_simem_size_0:
called_computation.2_lowered:
.L_overlay_start_0:
0x88: {  	s2 =	sld [smem:$0x3FD9]  }
0x89: {  	s3 =	sld [smem:$0x3FFE];
	_ =	sdelay $0x1  }
0x8a: {  	s1 =	srdreg.scid  }
0x8b: {  	s0 =	sand.u32 $0x1, s1  }
0x8c: {  	s17 =	sshll.u32 s0, $0xA;
	s2 =	sadd.s32 s3, s2  }
0x8d: {  	s2 =	sadd.s32 s2, s17  }
0x8e: {  	[smem:$0x3FC2] =	sst s2  }
0x8f: {  	_ = 	snop  }
0x90: {  	s2 =	sld [smem:$0x3FD0];
	(tm) =	ssettm $0x1  }
0x91: {  	s18 =	sld [smem:$0x3FFB];
	_ =	sdelay $0x3  }
0x92: {  	_ =	strace s18  }
0x93: {  	s3 =	sld [smem:$0x3FFC];
	_ =	sdelay $0x3  }
0x94: {  	_ =	strace s3  }
0x95: {  	s3 =	sld [smem:$0x3FFD];
	_ =	sdelay $0x3  }
0x96: {  	_ =	strace s3  }
0x97: {  	_ =	strace $0x8FFFFFFF  }
0x98: {  	s19 =	sld [smem:$0x3FDB];
	_ =	sdelay $0x1  }
0x99: {  	s4 =	simm.s32 $_scs_section_size  }
0x9a: {  	s5 =	simm.s32 $_size__tile_overlayer_lowered;
	s6 =	simm.s32 $_tile_overlayer_lowered  }
0x9b: {  	s22 =	simm.s32 $0x1BFF;
	s21 =	sshll.u32 s6, $0x1;
	s3 =	sadd.s32 s4, s19  }
0x9c: {  	s7 =	simm.s32 $0x0;
	s20 =	sshll.u32 s5, $0x1;
	s5 =	sadd.s32 s21, s3  }
0x9d: {  	[timem:s7], [sflag:s22] =	dma.local [hbm:s5], s20  }
0x9e: {  	_ =	swait.ge [sflag:s22], s20  }
0x9f: {  	s4 =	ssub.s32 $0x0, s20;
	[sflag:s22] =	ssyncset.done $0x0  }
0xa0: {  	[sflag:s22] =	ssyncadd.s32 s4;
	_ =	sdelay $0x1  }
0xa1: {  	s23 =	simm.s32 $0x1B8B  }
0xa2: {  	_ =	swait.ge [sflag:s23], $0x1  }
0xa3: {  	[sflag:s23] =	ssyncset.done $0x0  }
0xa4: {  	s25 =	simm.s32 $0x1B8E;
	s24 =	sld [smem:$0x3FFE];
	[sflag:s23] =	ssyncadd.s32 $0xFFFFFFFF  }
0xa5: {  	s26 =	simm.s32 $execute0_lowered;
	[smem:$0x3FD2] =	sst s25  }
0xa6: {  	s5 =	sshll.u32 s26, $0x1;
	_ =	strace $0x8000004C;
	[dreg:$0x1] =	wrdreg $0xFFFFFFFF  }
0xa7: {  	s28 =	simm.s32 $_size_execute0_lowered;
	s3 =	sadd.s32 s3, s5;
	[dreg:$0x0] =	wrdreg $0x0  }
0xa8: {  	s5 =	sshll.u32 s28, $0x1;
	[dreg:$0x2] =	wrdreg s3  }
0xa9: {  	[dreg:$0x3] =	wrdreg s5  }
0xaa: {  	[dreg:$0x4] =	wrdreg $0xC0  }
0xab: {  	_ =	task [dreg:s7], $0x5FFFF  }
0xac: {  	[dreg:$0x1] =	wrdreg $0xFFFFFFFF  }
0xad: {  	[dreg:$0x0] =	wrdreg $0x60  }
0xae: {  	[dreg:$0x2] =	wrdreg s2  }
0xaf: {  	[dreg:$0x3] =	wrdreg s24  }
0xb0: {  	[dreg:$0x4] =	wrdreg $0xAD000  }
0xb1: {  	[dreg:$0x5] =	wrdreg $0x9  }
0xb2: {  	_ =	task.clear_ibuf [dreg:s7], $0x6FFFF;
	_ =	strace $0x9000004C  }
0xb3: {  	s29 =	simm.s32 $0x9;
	_ =	strace $0x8000004E  }
0xb4: {  	_ =	swait.ge [sflag:s29], $0x1  }
0xb5: {  	[sflag:s29] =	ssyncadd.s32 $0xFFFFFFFF  }
0xb6: {  	_ =	strace $0x9000004E  }
0xb7: {  	_ =	sfence  }
0xb8: {  	s30 =	sld [smem:$0x0];
	_ =	sdelay $0x2  }
0xb9: {  	s31 =	sshll.u32 s1, $0xD;
	s1 =	sshrl.u32 s1, $0x2  }
0xba: {  	s3 =	sand.u32 $0x4000, s31;
	s1 =	sadd.s32 s1, s30  }
0xbb: {  	s0 =	sor.u32 s3, s0;
	s1 =	sshll.u32 s1, $0x11  }
0xbc: {  	s0 =	sor.u32 s1, s0  }
0xbd: {  	s0 =	sadd.s32 $0x8F2B, s0  }
0xbe: {  	[sflag:s0] =	ssyncadd.remote.s32 $0x1  }
0xbf: {  	_ =	sfence.sel $0xFFFF  }
0xc0: {  	[dreg:$0x0] =	wrdreg $0xFFFFFFFF;
	(pc) =	sbr.abs _section_cstart, $3  }
0xc1: {  	[dreg:$0x1] =	wrdreg $0xFFFFFFFF  }
0xc2: {  	_ =	task.clear_ibuf [dreg:s7], $0x2FFFF;
	_ =	strace $0x9FFFFFFF  }
0xc3: {  	(tm) =	ssettm $0x7FFFFFFF  }
tec
execute0_lowered:
.L_overlay_start_1:
0x0: {  	(tag) =	ssettag $0x1  }
0x1: {  	s1 =	rddreg [dreg:$0x0];
	s0 =	srdreg.scid  }
0x2: {  	s2 =	rddreg [dreg:$0x1];
	s9 =	stileid.u32  }
0x3: {  	s3 =	rddreg [dreg:$0x2];
	s4 =	simm.s32 $0x0;
	s16 =	simm.s32 $0x2D00  }
0x4: {  	s17 =	simm.s32 $0x5;
	s18 =	simm.s32 $0x2C00;
	s19 =	simm.s32 $0x80  }
0x5: {  	s20 =	simm.s32 $0x6D00;
	s21 =	simm.s32 $0x2C80;
	s6 =	smul.u32 $0x2C00, s9  }
0x6: {  	s22 =	simm.s32 $0x1;
	s23 =	simm.s32 $0x3;
	s8 =	smul.u32 $0x14000, s9  }
0x7: {  	s24 =	simm.s32 $0x2;
	s0 =	sand.u32 $0x1, s0;
	s9 =	smul.u32 $0x50000, s9  }
0x8: {  	s25 =	simm.s32 $0x4;
	s26 =	simm.s32 $0x0;
	s5 =	smul.u32 $0x2C000, s0  }
0x9: {  	[smem:$0x7FF] =	sst s4;
	s7 =	smul.u32 $0x140000, s0;
	s0 =	ssub.s32 $0x2, s0  }
0xa: {  	_ =	strace $0x8000004D;
	s30 =	sshrl.u32 s9, $0x2;
	s10 =	sshrl.u32 s0, $0x1  }
0xb: {  	s5 =	sadd.s32 s6, s5;
	s6 =	sadd.s32 $0x1E00, s2;
	s7 =	sadd.s32 s8, s7  }
0xc: {  	s0 =	ssub.s32 s0, s10;
	s13 =	sshrl.u32 s5, $0x3;
	s31 =	sshrl.u32 s7, $0x3  }
0xd: {  	s7 =	sadd.s32 s30, s3;
	s15 =	smax.u32 s0, $0x1;
	s12 =	sadd.s32 s13, s2  }
0xe: {  	s2 =	sadd.s32 s31, s2;
	s8 =	sadd.s32 $0x4000, s7;
	s9 =	sadd.s32 $0x8000, s7  }
0xf: {  	s10 =	sadd.s32 $0xC000, s7;
	s11 =	sadd.s32 $0x10000, s7;
	s13 =	sadd.s32 s6, s13  }
0x10: {  	v0 =	vimm.f32 $0.0e+00;
	[dreg:$0x4] =	wrdreg s8;
	s12 =	sadd.s32 $0x5CE00, s12;
	s14 =	sadd.s32 $0xCE00, s2  }
.LBB2_1:
0x11: {  	s28 =	simm.s32 $0x0;
	s29 =	simm.s32 $0x200  }
.LBB2_2:
0x12: {  	p0 =	sne.s32 s29, $0xFE00;
	[tilespmem:s28+$0x2D70] =	vst v0  }
0x13: {  	[tilespmem:s28+$0x2D00] =	vst v0  }
0x14: {  	[tilespmem:s28+$0x2D10] =	vst v0  }
.Ltmp0:
0x15: {  	[tilespmem:s28+$0x2D20] =	vst v0;
	(pc) =	sbr.rel @p0 .LBB2_2-.Ltmp0, $4  }
0x16: {  	[tilespmem:s28+$0x2D30] =	vst v0  }
0x17: {  	[tilespmem:s28+$0x2D40] =	vst v0  }
0x18: {  	[tilespmem:s28+$0x2D50] =	vst v0  }
0x19: {  	[tilespmem:s28+$0x2D60] =	vst v0;
	s28 =	sshra.s32 s29, $0x2;
	s29 =	sadd.s32 $0x200, s29  }
0x1a: {  	[tilespmem:s28+$0x2D70] =	vst v0  }
0x1b: {  	[tilespmem:s28+$0x2D00] =	vst v0  }
0x1c: {  	[tilespmem:s28+$0x2D10] =	vst v0  }
0x1d: {  	[tilespmem:s28+$0x2D20] =	vst v0  }
0x1e: {  	[tilespmem:s28+$0x2D30] =	vst v0  }
0x1f: {  	[tilespmem:s28+$0x2D40] =	vst v0  }
0x20: {  	[tilespmem:s28+$0x2D50] =	vst v0  }
0x21: {  	[tilespmem:s28+$0x2D60] =	vst v0  }
0x22: {  	[spmem:s7] =	stream.linear.scatter [tilespmem:s16], [sflag:$0x5], $0x4000, $0x38;
	[tilespmem:$0x1ED00] =	vst v63  }
0x23: {  	_ =	swait.ge [sflag:s17], $0x4000  }
0x24: {  	[sflag:s17] =	ssyncset.done $0x0  }
0x25: {  	s0 =	rddreg [dreg:$0x4];
	[sflag:s17] =	ssyncadd.s32 $0xFFFFC000  }
0x26: {  	[spmem:s0] =	stream.linear.scatter [tilespmem:s16], [sflag:$0x5], $0x4000, $0x38;
	[tilespmem:$0x1ED00] =	vst v63  }
0x27: {  	_ =	swait.ge [sflag:s17], $0x4000  }
0x28: {  	[sflag:s17] =	ssyncset.done $0x0  }
0x29: {  	[sflag:s17] =	ssyncadd.s32 $0xFFFFC000  }
0x2a: {  	[spmem:s9] =	stream.linear.scatter [tilespmem:s16], [sflag:$0x5], $0x4000, $0x38;
	[tilespmem:$0x1ED00] =	vst v63  }
0x2b: {  	_ =	swait.ge [sflag:s17], $0x4000  }
0x2c: {  	[sflag:s17] =	ssyncset.done $0x0  }
0x2d: {  	[sflag:s17] =	ssyncadd.s32 $0xFFFFC000  }
0x2e: {  	[spmem:s10] =	stream.linear.scatter [tilespmem:s16], [sflag:$0x5], $0x4000, $0x38;
	[tilespmem:$0x1ED00] =	vst v63  }
0x2f: {  	_ =	swait.ge [sflag:s17], $0x4000  }
0x30: {  	[sflag:s17] =	ssyncset.done $0x0  }
0x31: {  	[sflag:s17] =	ssyncadd.s32 $0xFFFFC000  }
0x32: {  	[spmem:s11] =	stream.linear.scatter [tilespmem:s16], [sflag:$0x5], $0x4000, $0x38;
	[tilespmem:$0x1ED00] =	vst v63  }
0x33: {  	_ =	swait.ge [sflag:s17], $0x4000  }
0x34: {  	[sflag:s17] =	ssyncset.done $0x0  }
0x35: {  	[sflag:s17] =	ssyncadd.s32 $0xFFFFC000  }
0x36: {  	[tilespmem:s4], [sflag:$0x5] =	stream.linear.gather [hbm4b:s12+s4], $0x2900, $0x38;
	[tilespmem:$0x1ED00] =	vst v63  }
0x37: {  	s8 =	simm.s32 $0x0;
	_ =	swait.ge [sflag:s17], $0x2900  }
0x38: {  	s2 =	sand.u32 $0x3C00, s8;
	[sflag:s17] =	ssyncset.done $0x0  }
0x39: {  	s2 =	sadd.s32 s5, s2;
	s0 =	sand.u32 $0x300, s8;
	[sflag:s17] =	ssyncadd.s32 $0xFFFFD700  }
0x3a: {  	s0 =	sor.u32 s2, s0;
	[bflag:$0x0] =	sbarrier.arrive $0xFFFF  }
0x3b: {  	[tilespmem:s18], [sflag:$0x3] =	stream.linear.gather [hbm4b:s13+s4], $0x80, $0x38;
	[tilespmem:$0x1ED00] =	vst v63  }
0x3c: {  	s0 =	sor.u32 $0x80, s0  }
0x3d: {  	[tilespmem:s16], [sflag:$0x1] =	stream.indirect.gather [hbm4b:s1+s19], $0x80, s4, s19, $0xb8;
	[tilespmem:$0x1ED00] =	vst v63  }
0x3e: {  	s0 =	sshrl.u32 s0, $0x3  }
0x3f: {  	[tilespmem:s20], [sflag:$0x2] =	stream.indirect.gather [hbm4b:s1+s19], $0x80, s19, s19, $0xb8;
	[tilespmem:$0x1ED00] =	vst v63  }
0x40: {  	s0 =	sadd.s32 s6, s0  }
0x41: {  	[tilespmem:s21], [sflag:$0x4] =	stream.linear.gather [hbm4b:s0+s4], $0x80, $0x38;
	[tilespmem:$0x1ED00] =	vst v63  }
0x42: {  	_ =	swait.ge [sflag:s22], $0x4000  }
0x43: {  	[sflag:s22] =	ssyncset.done $0x0  }
0x44: {  	[sflag:s22] =	ssyncadd.s32 $0xFFFFC000  }
0x45: {  	_ =	swait.ge [sflag:s23], $0x80  }
0x46: {  	s0 =	simm.s32 $0x100;
	[sflag:s23] =	ssyncset.done $0x0  }
0x47: {  	s8 =	sand.u32 $0x7C00, s0;
	[sflag:s23] =	ssyncadd.s32 $0xFFFFFF80  }
0x48: {  	[spmem:s3] =	stream.indirect.scatter.add.f32 [tilespmem:s16], [sflag:$0x5], $0x80, s18, s19, $0xb8;
	[tilespmem:$0x1ED00] =	vst v63  }
0x49: {  	s0 =	sand.u32 $0x300, s0;
	s2 =	sadd.s32 s5, s8;
	_ =	swait.ge [sflag:s17], $0x4000  }
0x4a: {  	s0 =	sor.u32 s0, s2;
	[sflag:s17] =	ssyncset.done $0x0  }
0x4b: {  	s28 =	simm.s32 $0x100;
	s0 =	sshrl.u32 s0, $0x3;
	[sflag:s17] =	ssyncadd.s32 $0xFFFFC000  }
0x4c: {  	[tilespmem:s16], [sflag:$0x1] =	stream.indirect.gather [hbm4b:s1+s19], $0x80, s28, s19, $0xb8;
	[tilespmem:$0x1ED00] =	vst v63  }
0x4d: {  	s0 =	sadd.s32 s6, s0  }
0x4e: {  	[tilespmem:s18], [sflag:$0x3] =	stream.linear.gather [hbm4b:s0+s4], $0x80, $0x38;
	[tilespmem:$0x1ED00] =	vst v63  }
0x4f: {  	s30 =	simm.s32 $0x180;
	_ =	swait.ge [sflag:s24], $0x4000  }
0x50: {  	s29 =	simm.s32 $0x200;
	s0 =	simm.s32 $0x100;
	[sflag:s24] =	ssyncset.done $0x0  }
0x51: {  	s31 =	simm.s32 $0x300;
	s8 =	sand.u32 $0x3C00, s0;
	[sflag:s24] =	ssyncadd.s32 $0xFFFFC000  }
0x52: {  	s0 =	sand.u32 $0x300, s0;
	s2 =	sadd.s32 s5, s8;
	_ =	swait.ge [sflag:s25], $0x80  }
0x53: {  	s28 =	simm.s32 $0x280;
	s0 =	sor.u32 s2, s0;
	[sflag:s25] =	ssyncset.done $0x0  }
.LBB2_4:
0x54: {  	s0 =	sor.u32 $0x80, s0  }
0x55: {  	[sflag:s25] =	ssyncadd.s32 $0xFFFFFF80;
	s8 =	smov.u32 s31;
	s2 =	sadd.s32 $0x100, s31  }
0x56: {  	[spmem:s3] =	stream.indirect.scatter.add.f32 [tilespmem:s20], [sflag:$0x5], $0x80, s21, s19, $0xb8;
	[tilespmem:$0x1ED00] =	vst v63  }
0x57: {  	p0 =	sne.s32 s31, $0x2800;
	s0 =	sshrl.u32 s0, $0x3;
	_ =	swait.ge [sflag:s17], $0x4000  }
0x58: {  	s0 =	sadd.s32 s6, s0;
	[sflag:s17] =	ssyncset.done $0x0  }
0x59: {  	[sflag:s17] =	ssyncadd.s32 $0xFFFFC000  }
0x5a: {  	[tilespmem:s20], [sflag:$0x2] =	stream.indirect.gather [hbm4b:s1+s19], $0x80, s30, s19, $0xb8;
	[tilespmem:$0x1ED00] =	vst v63  }
0x5b: {  	s30 =	smov.u32 s28  }
0x5c: {  	[tilespmem:s21], [sflag:$0x4] =	stream.linear.gather [hbm4b:s0+s4], $0x80, $0x38;
	[tilespmem:$0x1ED00] =	vst v63  }
0x5d: {  	_ =	swait.ge [sflag:s22], $0x4000  }
0x5e: {  	[sflag:s22] =	ssyncset.done $0x0  }
0x5f: {  	[sflag:s22] =	ssyncadd.s32 $0xFFFFC000  }
0x60: {  	_ =	swait.ge [sflag:s23], $0x80  }
0x61: {  	[sflag:s23] =	ssyncset.done $0x0  }
0x62: {  	[sflag:s23] =	ssyncadd.s32 $0xFFFFFF80  }
0x63: {  	[spmem:s3] =	stream.indirect.scatter.add.f32 [tilespmem:s16], [sflag:$0x5], $0x80, s18, s19, $0xb8;
	[tilespmem:$0x1ED00] =	vst v63  }
0x64: {  	s0 =	sand.u32 $0x7C00, s29;
	_ =	swait.ge [sflag:s17], $0x4000  }
0x65: {  	s29 =	sand.u32 $0x300, s29;
	s0 =	sadd.s32 s5, s0;
	[sflag:s17] =	ssyncset.done $0x0  }
0x66: {  	s31 =	sadd.s32 $0xFFFFFF80, s28;
	s0 =	sor.u32 s29, s0;
	[sflag:s17] =	ssyncadd.s32 $0xFFFFC000  }
0x67: {  	[tilespmem:s16], [sflag:$0x1] =	stream.indirect.gather [hbm4b:s1+s19], $0x80, s31, s19, $0xb8;
	[tilespmem:$0x1ED00] =	vst v63  }
0x68: {  	s29 =	smov.u32 s8;
	s0 =	sshrl.u32 s0, $0x3  }
0x69: {  	s0 =	sadd.s32 s6, s0  }
0x6a: {  	[tilespmem:s18], [sflag:$0x3] =	stream.linear.gather [hbm4b:s0+s4], $0x80, $0x38;
	[tilespmem:$0x1ED00] =	vst v63  }
.Ltmp1:
0x6b: {  	_ =	swait.ge [sflag:s24], $0x4000;
	(pc) =	sbr.rel @p0 .LBB2_4-.Ltmp1, $4  }
0x6c: {  	s0 =	sadd.s32 $0xFFFFFF00, s29;
	[sflag:s24] =	ssyncset.done $0x0  }
0x6d: {  	s28 =	sadd.s32 $0x100, s28;
	s8 =	sand.u32 $0x3C00, s0;
	[sflag:s24] =	ssyncadd.s32 $0xFFFFC000  }
0x6e: {  	s0 =	sand.u32 $0x300, s0;
	s8 =	sadd.s32 s5, s8;
	_ =	swait.ge [sflag:s25], $0x80  }
0x6f: {  	s31 =	smov.u32 s2;
	s0 =	sor.u32 s8, s0;
	[sflag:s25] =	ssyncset.done $0x0  }
0x70: {  	[sflag:s25] =	ssyncadd.s32 $0xFFFFFF80  }
0x71: {  	[spmem:s3] =	stream.indirect.scatter.add.f32 [tilespmem:s20], [sflag:$0x5], $0x80, s21, s19, $0xb8;
	[tilespmem:$0x1ED00] =	vst v63  }
0x72: {  	_ =	swait.ge [sflag:s17], $0x4000  }
0x73: {  	s0 =	sor.u32 $0x80, s0;
	[sflag:s17] =	ssyncset.done $0x0  }
0x74: {  	s0 =	sshrl.u32 s0, $0x3;
	[sflag:s17] =	ssyncadd.s32 $0xFFFFC000  }
0x75: {  	[tilespmem:s20], [sflag:$0x2] =	stream.indirect.gather [hbm4b:s1+s19], $0x80, s30, s19, $0xb8;
	[tilespmem:$0x1ED00] =	vst v63  }
0x76: {  	s0 =	sadd.s32 s6, s0  }
0x77: {  	[tilespmem:s21], [sflag:$0x4] =	stream.linear.gather [hbm4b:s0+s4], $0x80, $0x38;
	[tilespmem:$0x1ED00] =	vst v63  }
0x78: {  	_ =	swait.ge [sflag:s22], $0x4000  }
0x79: {  	[sflag:s22] =	ssyncset.done $0x0  }
0x7a: {  	[sflag:s22] =	ssyncadd.s32 $0xFFFFC000  }
0x7b: {  	_ =	swait.ge [sflag:s23], $0x80  }
0x7c: {  	[sflag:s23] =	ssyncset.done $0x0  }
0x7d: {  	s8 =	sand.u32 $0x7C00, s29;
	[sflag:s23] =	ssyncadd.s32 $0xFFFFFF80  }
0x7e: {  	[spmem:s3] =	stream.indirect.scatter.add.f32 [tilespmem:s16], [sflag:$0x5], $0x80, s18, s19, $0xb8;
	[tilespmem:$0x1ED00] =	vst v63  }
0x7f: {  	s2 =	sand.u32 $0x300, s29;
	s0 =	sadd.s32 s5, s8;
	_ =	swait.ge [sflag:s17], $0x4000  }
0x80: {  	s0 =	sor.u32 s2, s0;
	[sflag:s17] =	ssyncset.done $0x0  }
0x81: {  	s8 =	sadd.s32 $0xFFFFFF80, s28;
	s0 =	sshrl.u32 s0, $0x3;
	[sflag:s17] =	ssyncadd.s32 $0xFFFFC000  }
0x82: {  	[tilespmem:s16], [sflag:$0x1] =	stream.indirect.gather [hbm4b:s1+s19], $0x80, s8, s19, $0xb8;
	[tilespmem:$0x1ED00] =	vst v63  }
0x83: {  	s0 =	sadd.s32 s6, s0  }
0x84: {  	[tilespmem:s18], [sflag:$0x3] =	stream.linear.gather [hbm4b:s0+s4], $0x80, $0x38;
	[tilespmem:$0x1ED00] =	vst v63  }
0x85: {  	_ =	swait.ge [sflag:s24], $0x4000  }
0x86: {  	[sflag:s24] =	ssyncset.done $0x0  }
0x87: {  	[sflag:s24] =	ssyncadd.s32 $0xFFFFC000  }
0x88: {  	_ =	swait.ge [sflag:s25], $0x80  }
0x89: {  	[sflag:s25] =	ssyncset.done $0x0  }
0x8a: {  	[sflag:s25] =	ssyncadd.s32 $0xFFFFFF80  }
0x8b: {  	[spmem:s3] =	stream.indirect.scatter.add.f32 [tilespmem:s20], [sflag:$0x5], $0x80, s21, s19, $0xb8;
	[tilespmem:$0x1ED00] =	vst v63  }
0x8c: {  	_ =	swait.ge [sflag:s17], $0x4000  }
0x8d: {  	[sflag:s17] =	ssyncset.done $0x0  }
0x8e: {  	[sflag:s17] =	ssyncadd.s32 $0xFFFFC000  }
0x8f: {  	[tilespmem:s20], [sflag:$0x2] =	stream.indirect.gather [hbm4b:s1+s19], $0x80, s28, s19, $0xb8;
	[tilespmem:$0x1ED00] =	vst v63  }
0x90: {  	_ =	swait.ge [sflag:s22], $0x4000  }
0x91: {  	[sflag:s22] =	ssyncset.done $0x0  }
0x92: {  	[sflag:s22] =	ssyncadd.s32 $0xFFFFC000  }
0x93: {  	_ =	swait.ge [sflag:s24], $0x4000  }
0x94: {  	[sflag:s24] =	ssyncset.done $0x0  }
0x95: {  	[sflag:s24] =	ssyncadd.s32 $0xFFFFC000  }
0x96: {  	s31 =	sshrl.u32 s7, $0x3;
	_ =	swait.ge [sflag:s23], $0x80  }
0x97: {  	s26 =	sadd.s32 $0x1, s26;
	s30 =	stileid.u32;
	[sflag:s23] =	ssyncset.done $0x0  }
0x98: {  	p0 =	sne.s32 s26, s15;
	s0 =	sshll.u32 s30, $0x6;
	[sflag:s23] =	ssyncadd.s32 $0xFFFFFF80  }
.Ltmp2:
0x99: {  	s0 =	sor.u32 $0x1C05, s0;
	[bflag:$0x0] =	sbarrier.arrive $0xFFFF;
	(pc) =	sbr.rel @p0 .LBB2_1-.Ltmp2, $4  }
0x9a: {  	[hbm:s14], [sflag:s0] =	dma.local [spmem:s31], $0x2800  }
0x9b: {  	_ =	swait.ge [sflag:s17], $0x2800  }
0x9c: {  	[sflag:s17] =	ssyncset.done $0x0  }
0x9d: {  	[sflag:s17] =	ssyncadd.s32 $0xFFFFD800  }
0x9e: {  	_ =	sfence.sel $0x180000  }
0x9f: {  	[bflag:$0x0] =	sbarrier.arrive $0xFFFF  }
0xa0: {  	_ =	strace $0x9000004D  }
0xa1: {  	s0 =	stileid.u32;
	[bflag:$0x2] =	sbarrier.arrive $0xFFFF  }
0xa2: {  	p0 =	sne.s32 s0, $0x0;
	s0 =	rddreg [dreg:$0x3]  }
0xa3: {  	s0 =	sadd.s32 @!p0 $0x100000, s0  }
0xa4: {  	[sflag:s0] =	ssyncadd.tile.s32 @!p0 $0x1;
	_ =	shalt  }
.Lfunc_end2:
_tile_overlayer_lowered:
.L_overlay_start_2:
0xa5: {  	(tag) =	ssettag $0x2  }
0xa6: {  	s0 =	rddreg [dreg:$0x0];
	s2 =	stileid.u32  }
0xa7: {  	s1 =	rddreg [dreg:$0x1];
	p0 =	sne.s32 s2, $0x0  }
0xa8: {  	s3 =	rddreg [dreg:$0x2];
	[bflag:$0x3] =	sbarrier.arrive $0xFFFF;
	s2 =	simm.s32 @!p0 $0x1C05  }
0xa9: {  	[timem:s3], [sflag:s2] =	dma.local @!p0 [hbm:s0], s1  }
0xaa: {  	s0 =	simm.s32 @!p0 $0x5  }
0xab: {  	_ =	swait.ge @!p0 [sflag:s0], s1  }
0xac: {  	s1 =	ssub.s32 @!p0 $0x0, s1;
	[sflag:s0] =	ssyncset.done @!p0 $0x0  }
0xad: {  	[sflag:s0] =	ssyncadd.s32 @!p0 s1  }
0xae: {  	[bflag:$0x3] =	sbarrier.arrive $0xFFFF  }
0xaf: {  	_ =	shalt  }

// kernel: kernel.8.cloned.1.call-start
scs
__scs_entry_jumppad:
0x0: {  	(pc) =	sbr.rel $0x88, $3  }
0x1: {  	(tag) =	ssettag $0x0;
	lr =	simm.s32 $0x1  }
0x2: {  	[smem:$0x3F9B] =	sst lr;
	_ =	strace $0xD0000000  }
0x3: {  	_ = 	snop  }
0x4: {  	_ = 	snop  }
0x5: {  	_ = 	snop  }
0x6: {  	_ = 	snop  }
0x7: {  	_ = 	snop  }
__scs_overlays_trampoline_lowered:
0x8: {  	[smem:$0x3FAA] =	sst s0  }
0x9: {  	[smem:$0x3FAB] =	sst s1  }
0xa: {  	[smem:$0x3FAC] =	sst s2  }
0xb: {  	[smem:$0x3FAD] =	sst s3  }
0xc: {  	[smem:$0x3FAE] =	sst s4  }
0xd: {  	[smem:$0x3FAF] =	sst s5  }
0xe: {  	[smem:$0x3FB0] =	sst s6  }
0xf: {  	[smem:$0x3FB1] =	sst s7  }
0x10: {  	[smem:$0x3FB2] =	sst s8  }
0x11: {  	[smem:$0x3FB3] =	sst s9;
	s0 =	simm.s32 @!p0 $0x0  }
0x12: {  	s1 =	sld [smem:$0x3F99];
	s0 =	simm.s32 @p0 $0x1  }
0x13: {  	[smem:$0x3FB4] =	sst s0;
	s0 =	simm.s32 @!p1 $0x0  }
0x14: {  	s2 =	sld [smem:$0x3F98];
	s0 =	simm.s32 @p1 $0x1  }
0x15: {  	[smem:$0x3FB5] =	sst s0;
	s0 =	simm.s32 @!p2 $0x0  }
0x16: {  	s3 =	sld [smem:$0x3FDB];
	s0 =	simm.s32 @p2 $0x1  }
0x17: {  	s4 =	simm.s32 $0x1BF5;
	[smem:$0x3FB7] =	sst s0  }
0x18: {  	s0 =	sld [smem:$0x3F9A];
	_ =	swait.ge [sflag:s4], $0x0  }
0x19: {  	s7 =	sld [smem:$0x3F9B]  }
0x1a: {  	s8 =	sadd.s32 $0xFFFFE003, lr  }
0x1b: {  	s9 =	sadd.s32 $0xFFFFFEF7, lr;
	s5 =	simm.s32 $0xFFFFFFFF;
	p2 =	slt.u32 s8, $0xFFFFF086  }
0x1c: {  	p1 =	slt.u32 s9, $0xF7A;
	s5 =	simm.s32 @!p2 $0x0  }
0x1d: {  	s5 =	simm.s32 @p1 $0x1;
	p0 =	seq.s32 s7, s2  }
0x1e: {  	s7 =	smul.u32 @!p0 $0xF7A, s2;
	p2 =	seq.s32 @!p0 s5, $0x0  }
0x1f: {  	s9 =	smul.u32 $0xF7A, s1;
	s8 =	simm.s32 @!p0 $0x1BF5;
	p2 =	por !p2, p0  }
0x20: {  	[sflag:s8] =	ssyncset.s32 @!p0 $0xFFFFF086;
	s6 =	sadd.s32 @!p0 s3, s7;
	s7 =	simm.s32 @!p0 $0x108  }
0x21: {  	s3 =	sadd.s32 s3, s9;
	s6 =	sadd.s32 @!p0 $0x88, s6;
	s7 =	simm.s32 @p2 $0x1082  }
0x22: {  	[simem:s7], [sflag:s8] =	dma.local @!p0 [hbm:s6], $0xF7A  }
0x23: {  	s9 =	sor.u32 $0xD0000000, s2;
	s6 =	simm.s32 $0x108;
	_ =	swait.ge @!p0 [sflag:s8], $0x0  }
0x24: {  	s3 =	sadd.s32 $0x88, s3;
	s6 =	simm.s32 @!p1 $0x1082;
	[sflag:s4] =	ssyncset.s32 $0xFFFFF086  }
0x25: {  	[simem:s6], [sflag:s4] =	dma.local [hbm:s3], $0xF7A  }
0x26: {  	[smem:$0x3F9B] =	sst s1;
	(tag) =	ssettag s2;
	_ =	strace s9  }
0x27: {  	s1 =	sld [smem:$0x3FAB]  }
0x28: {  	s2 =	sld [smem:$0x3FAC]  }
0x29: {  	s4 =	sld [smem:$0x3FAE]  }
0x2a: {  	p0 =	seq.s32 s5, $0x0;
	s5 =	sld [smem:$0x3FAF]  }
0x2b: {  	s6 =	sld [smem:$0x3FB0]  }
0x2c: {  	s7 =	sld [smem:$0x3FB1]  }
0x2d: {  	s3 =	simm.s32 $0x108;
	s8 =	sld [smem:$0x3FB2]  }
0x2e: {  	s3 =	simm.s32 @!p0 $0x1082;
	s9 =	sld [smem:$0x3FB3]  }
0x2f: {  	lr =	sadd.s32 s0, s3;
	s0 =	sld [smem:$0x3FAA]  }
0x30: {  	s3 =	sld [smem:$0x3FAD]  }
0x31: {  	[smem:$0x3FB6] =	sst s10  }
0x32: {  	s10 =	sld [smem:$0x3FB4];
	_ =	sdelay $0x3  }
0x33: {  	p0 =	seq.s32 s10, $0x1;
	s10 =	sld [smem:$0x3FB6];
	_ =	sdelay $0x3  }
0x34: {  	[smem:$0x3FB6] =	sst s10  }
0x35: {  	s10 =	sld [smem:$0x3FB5];
	_ =	sdelay $0x3  }
0x36: {  	p1 =	seq.s32 s10, $0x1;
	s10 =	sld [smem:$0x3FB6];
	_ =	sdelay $0x3  }
0x37: {  	[smem:$0x3FB6] =	sst s10  }
0x38: {  	s10 =	sld [smem:$0x3FB7]  }
0x39: {  	_ = 	snop;
	(pc) =	sbr.ind lr, $3  }
0x3a: {  	_ = 	snop  }
0x3b: {  	_ = 	snop  }
0x3c: {  	p2 =	seq.s32 s10, $0x1;
	s10 =	sld [smem:$0x3FB6]  }
0x3d: {  	_ =	shalt  }
0x3e: {  	_ =	shalt  }
0x3f: {  	_ =	shalt  }
0x40: {  	_ =	shalt  }
0x41: {  	_ =	shalt  }
0x42: {  	_ =	shalt  }
0x43: {  	_ =	shalt  }
0x44: {  	_ =	shalt  }
0x45: {  	_ =	shalt  }
0x46: {  	_ =	shalt  }
0x47: {  	_ =	shalt  }
0x48: {  	_ =	shalt  }
0x49: {  	_ =	shalt  }
0x4a: {  	_ =	shalt  }
0x4b: {  	_ =	shalt  }
0x4c: {  	_ =	shalt  }
0x4d: {  	_ =	shalt  }
0x4e: {  	_ =	shalt  }
0x4f: {  	_ =	shalt  }
0x50: {  	_ =	shalt  }
0x51: {  	_ =	shalt  }
0x52: {  	_ =	shalt  }
0x53: {  	_ =	shalt  }
0x54: {  	_ =	shalt  }
0x55: {  	_ =	shalt  }
0x56: {  	_ =	shalt  }
0x57: {  	_ =	shalt  }
0x58: {  	_ =	shalt  }
0x59: {  	_ =	shalt  }
0x5a: {  	_ =	shalt  }
0x5b: {  	_ =	shalt  }
0x5c: {  	_ =	shalt  }
0x5d: {  	_ =	shalt  }
0x5e: {  	_ =	shalt  }
0x5f: {  	_ =	shalt  }
0x60: {  	_ =	shalt  }
0x61: {  	_ =	shalt  }
0x62: {  	_ =	shalt  }
0x63: {  	_ =	shalt  }
0x64: {  	_ =	shalt  }
0x65: {  	_ =	shalt  }
0x66: {  	_ =	shalt  }
0x67: {  	_ =	shalt  }
0x68: {  	_ =	shalt  }
0x69: {  	_ =	shalt  }
0x6a: {  	_ =	shalt  }
0x6b: {  	_ =	shalt  }
0x6c: {  	_ =	shalt  }
0x6d: {  	_ =	shalt  }
0x6e: {  	_ =	shalt  }
0x6f: {  	_ =	shalt  }
0x70: {  	_ =	shalt  }
0x71: {  	_ =	shalt  }
0x72: {  	_ =	shalt  }
0x73: {  	_ =	shalt  }
0x74: {  	_ =	shalt  }
0x75: {  	_ =	shalt  }
0x76: {  	_ =	shalt  }
0x77: {  	_ =	shalt  }
0x78: {  	_ =	shalt  }
0x79: {  	_ =	shalt  }
0x7a: {  	_ =	shalt  }
0x7b: {  	_ =	shalt  }
0x7c: {  	_ =	shalt  }
0x7d: {  	_ =	shalt  }
0x7e: {  	_ =	shalt  }
0x7f: {  	_ =	shalt  }
0x80: {  	_ =	shalt  }
0x81: {  	_ =	shalt  }
0x82: {  	_ =	shalt  }
0x83: {  	_ =	shalt  }
0x84: {  	_ =	shalt  }
0x85: {  	_ =	shalt  }
0x86: {  	_ =	shalt  }
0x87: {  	_ =	shalt  }
.Lfunc_end0:
.L_simem_size_0:
called_computation_lowered:
.L_overlay_start_0:
0x88: {  	s2 =	sld [smem:$0x3FD9]  }
0x89: {  	s3 =	sld [smem:$0x3FFE];
	_ =	sdelay $0x1  }
0x8a: {  	s1 =	srdreg.scid  }
0x8b: {  	s0 =	sand.u32 $0x1, s1  }
0x8c: {  	s16 =	sshll.u32 s0, $0xA;
	s2 =	sadd.s32 s3, s2  }
0x8d: {  	s2 =	sadd.s32 s2, s16  }
0x8e: {  	[smem:$0x3FC2] =	sst s2  }
0x8f: {  	_ = 	snop  }
0x90: {  	(tm) =	ssettm $0x1  }
0x91: {  	s17 =	sld [smem:$0x3FFB];
	_ =	sdelay $0x3  }
0x92: {  	_ =	strace s17  }
0x93: {  	s2 =	sld [smem:$0x3FFC];
	_ =	sdelay $0x3  }
0x94: {  	_ =	strace s2  }
0x95: {  	s2 =	sld [smem:$0x3FFD];
	_ =	sdelay $0x3  }
0x96: {  	_ =	strace s2  }
0x97: {  	_ =	strace $0x8FFFFFFF  }
0x98: {  	s18 =	sld [smem:$0x3FDB];
	_ =	sdelay $0x1  }
0x99: {  	s19 =	simm.s32 $_scs_section_size  }
0x9a: {  	s4 =	simm.s32 $_size__tile_overlayer_lowered;
	s5 =	simm.s32 $_tile_overlayer_lowered  }
0x9b: {  	s22 =	simm.s32 $0x1BFF;
	s21 =	sshll.u32 s5, $0x1;
	s2 =	sadd.s32 s19, s18  }
0x9c: {  	s6 =	simm.s32 $0x0;
	s20 =	sshll.u32 s4, $0x1;
	s4 =	sadd.s32 s21, s2  }
0x9d: {  	[timem:s6], [sflag:s22] =	dma.local [hbm:s4], s20  }
0x9e: {  	_ =	swait.ge [sflag:s22], s20  }
0x9f: {  	s3 =	ssub.s32 $0x0, s20;
	[sflag:s22] =	ssyncset.done $0x0  }
0xa0: {  	[sflag:s22] =	ssyncadd.s32 s3;
	_ =	sdelay $0x1  }
0xa1: {  	s23 =	simm.s32 $0x1B8B  }
0xa2: {  	_ =	swait.ge [sflag:s23], $0x1  }
0xa3: {  	[sflag:s23] =	ssyncset.done $0x0  }
0xa4: {  	s25 =	simm.s32 $0x1B8E;
	s24 =	sld [smem:$0x3FFE];
	[sflag:s23] =	ssyncadd.s32 $0xFFFFFFFF  }
0xa5: {  	s26 =	simm.s32 $execute0_lowered;
	[smem:$0x3FD2] =	sst s25  }
0xa6: {  	s4 =	sshll.u32 s26, $0x1;
	_ =	strace $0x80000046;
	[dreg:$0x1] =	wrdreg $0xFFFFFFFF  }
0xa7: {  	s28 =	simm.s32 $_size_execute0_lowered;
	s2 =	sadd.s32 s2, s4;
	[dreg:$0x0] =	wrdreg $0x0  }
0xa8: {  	s4 =	sshll.u32 s28, $0x1;
	[dreg:$0x2] =	wrdreg s2  }
0xa9: {  	[dreg:$0x3] =	wrdreg s4  }
0xaa: {  	[dreg:$0x4] =	wrdreg $0xC0  }
0xab: {  	_ =	task [dreg:s6], $0x5FFFF  }
0xac: {  	[dreg:$0x1] =	wrdreg $0xFFFFFFFF  }
0xad: {  	[dreg:$0x0] =	wrdreg $0x60  }
0xae: {  	[dreg:$0x2] =	wrdreg s24  }
0xaf: {  	[dreg:$0x3] =	wrdreg $0x68000  }
0xb0: {  	[dreg:$0x4] =	wrdreg $0x9  }
0xb1: {  	_ =	task.clear_ibuf [dreg:s6], $0x5FFFF;
	_ =	strace $0x90000046  }
0xb2: {  	s29 =	simm.s32 $0x9;
	_ =	strace $0x80000048  }
0xb3: {  	_ =	swait.ge [sflag:s29], $0x1  }
0xb4: {  	[sflag:s29] =	ssyncadd.s32 $0xFFFFFFFF  }
0xb5: {  	_ =	strace $0x90000048  }
0xb6: {  	_ =	sfence  }
0xb7: {  	s30 =	sld [smem:$0x0];
	_ =	sdelay $0x2  }
0xb8: {  	s31 =	sshll.u32 s1, $0xD;
	s1 =	sshrl.u32 s1, $0x2  }
0xb9: {  	s3 =	sand.u32 $0x4000, s31;
	s1 =	sadd.s32 s1, s30  }
0xba: {  	s0 =	sor.u32 s3, s0;
	s1 =	sshll.u32 s1, $0x11  }
0xbb: {  	s0 =	sor.u32 s1, s0  }
0xbc: {  	s0 =	sadd.s32 $0x8F2B, s0  }
0xbd: {  	[sflag:s0] =	ssyncadd.remote.s32 $0x1  }
0xbe: {  	_ =	sfence.sel $0xFFFF  }
0xbf: {  	[dreg:$0x0] =	wrdreg $0xFFFFFFFF;
	(pc) =	sbr.abs _section_cstart, $3  }
0xc0: {  	[dreg:$0x1] =	wrdreg $0xFFFFFFFF  }
0xc1: {  	_ =	task.clear_ibuf [dreg:s6], $0x2FFFF;
	_ =	strace $0x9FFFFFFF  }
0xc2: {  	(tm) =	ssettm $0x7FFFFFFF  }
0xc3: {  	_ =	shalt  }
tec
execute0_lowered:
.L_overlay_start_1:
0x0: {  	(tag) =	ssettag $0x1  }
0x1: {  	s5 =	rddreg [dreg:$0x0]  }
0x2: {  	s0 =	srdreg.scid;
	s2 =	rddreg [dreg:$0x1]  }
0x3: {  	s1 =	rddreg [dreg:$0x2];
	s4 =	sand.u32 $0x1, s0  }
0x4: {  	s3 =	simm.s32 $0x0;
	s0 =	stileid.u32;
	s6 =	smul.u32 $0x2C000, s4  }
0x5: {  	s13 =	simm.s32 $0x3;
	s14 =	simm.s32 $0x80;
	s7 =	smul.u32 $0x2C00, s0  }
0x6: {  	s15 =	simm.s32 $0x1;
	s16 =	simm.s32 $0x2;
	s8 =	smul.u32 $0x140000, s4  }
0x7: {  	s19 =	simm.s32 $0x0;
	[smem:$0x7FF] =	sst s3;
	s26 =	smul.u32 $0x14000, s0  }
0x8: {  	s9 =	smul.u32 $0x50000, s0;
	s29 =	ssub.s32 $0x2, s4;
	s17 =	sshll.u32 s0, $0x6  }
0x9: {  	_ =	strace $0x80000047;
	s31 =	sshrl.u32 s29, $0x1;
	s17 =	sor.u32 $0x1C03, s17  }
0xa: {  	s6 =	sadd.s32 s7, s6;
	s28 =	sadd.s32 s26, s8;
	s30 =	sshrl.u32 s9, $0x2  }
0xb: {  	s12 =	ssub.s32 s29, s31;
	s6 =	sshrl.u32 s6, $0x3;
	s4 =	sadd.s32 s30, s2  }
0xc: {  	s10 =	sadd.s32 s6, s5;
	s6 =	sshrl.u32 s28, $0x3;
	s7 =	sadd.s32 $0xC000, s4  }
0xd: {  	s8 =	sadd.s32 $0x10000, s4;
	s18 =	sshrl.u32 s4, $0x3;
	s11 =	sadd.s32 s6, s5  }
0xe: {  	s5 =	sadd.s32 $0x4000, s4;
	s6 =	sadd.s32 $0x8000, s4;
	s9 =	sadd.s32 $0x1E00, s10  }
0xf: {  	v0 =	vimm.f32 $0.0e+00;
	v1 =	vimm.f32 $1.000000000e+00;
	s10 =	sadd.s32 $0xCE00, s11;
	s11 =	smax.u32 s12, $0x1;
	s12 =	simm.s32 $0x2800  }
.LBB2_1:
0x10: {  	s20 =	simm.s32 $0x0;
	s21 =	simm.s32 $0x200  }
.LBB2_2:
0x11: {  	p0 =	sne.s32 s21, $0xFE00;
	[tilespmem:s20+$0x2870] =	vst v0  }
0x12: {  	[tilespmem:s20+$0x2800] =	vst v0  }
0x13: {  	[tilespmem:s20+$0x2810] =	vst v0  }
.Ltmp0:
0x14: {  	[tilespmem:s20+$0x2820] =	vst v0;
	(pc) =	sbr.rel @p0 .LBB2_2-.Ltmp0, $4  }
0x15: {  	[tilespmem:s20+$0x2830] =	vst v0  }
0x16: {  	[tilespmem:s20+$0x2840] =	vst v0  }
0x17: {  	[tilespmem:s20+$0x2850] =	vst v0  }
0x18: {  	[tilespmem:s20+$0x2860] =	vst v0;
	s20 =	sshra.s32 s21, $0x2;
	s21 =	sadd.s32 $0x200, s21  }
0x19: {  	[tilespmem:s20+$0x2870] =	vst v0  }
0x1a: {  	[tilespmem:s20+$0x2800] =	vst v0  }
0x1b: {  	[tilespmem:s20+$0x2810] =	vst v0  }
0x1c: {  	[tilespmem:s20+$0x2820] =	vst v0  }
0x1d: {  	[tilespmem:s20+$0x2830] =	vst v0  }
0x1e: {  	[tilespmem:s20+$0x2840] =	vst v0  }
0x1f: {  	[tilespmem:s20+$0x2850] =	vst v0  }
0x20: {  	[tilespmem:s20+$0x2860] =	vst v0  }
0x21: {  	[spmem:s4] =	stream.linear.scatter [tilespmem:s12], [sflag:$0x3], $0x4000, $0x38;
	[tilespmem:$0x1A800] =	vst v63  }
0x22: {  	_ =	swait.ge [sflag:s13], $0x4000  }
0x23: {  	[sflag:s13] =	ssyncset.done $0x0  }
0x24: {  	[sflag:s13] =	ssyncadd.s32 $0xFFFFC000  }
0x25: {  	[spmem:s5] =	stream.linear.scatter [tilespmem:s12], [sflag:$0x3], $0x4000, $0x38;
	[tilespmem:$0x1A800] =	vst v63  }
0x26: {  	_ =	swait.ge [sflag:s13], $0x4000  }
0x27: {  	[sflag:s13] =	ssyncset.done $0x0  }
0x28: {  	[sflag:s13] =	ssyncadd.s32 $0xFFFFC000  }
0x29: {  	[spmem:s6] =	stream.linear.scatter [tilespmem:s12], [sflag:$0x3], $0x4000, $0x38;
	[tilespmem:$0x1A800] =	vst v63  }
0x2a: {  	_ =	swait.ge [sflag:s13], $0x4000  }
0x2b: {  	[sflag:s13] =	ssyncset.done $0x0  }
0x2c: {  	[sflag:s13] =	ssyncadd.s32 $0xFFFFC000  }
0x2d: {  	[spmem:s7] =	stream.linear.scatter [tilespmem:s12], [sflag:$0x3], $0x4000, $0x38;
	[tilespmem:$0x1A800] =	vst v63  }
0x2e: {  	_ =	swait.ge [sflag:s13], $0x4000  }
0x2f: {  	[sflag:s13] =	ssyncset.done $0x0  }
0x30: {  	[sflag:s13] =	ssyncadd.s32 $0xFFFFC000  }
0x31: {  	[spmem:s8] =	stream.linear.scatter [tilespmem:s12], [sflag:$0x3], $0x4000, $0x38;
	[tilespmem:$0x1A800] =	vst v63  }
0x32: {  	_ =	swait.ge [sflag:s13], $0x4000  }
0x33: {  	[sflag:s13] =	ssyncset.done $0x0  }
0x34: {  	s20 =	simm.s32 $0x0;
	s21 =	simm.s32 $0x200;
	[sflag:s13] =	ssyncadd.s32 $0xFFFFC000  }
.LBB2_4:
0x35: {  	p0 =	sne.s32 s21, $0xFE00;
	[tilespmem:s20+$0x2870] =	vst v1  }
0x36: {  	[tilespmem:s20+$0x2800] =	vst v1  }
0x37: {  	[tilespmem:s20+$0x2810] =	vst v1  }
.Ltmp1:
0x38: {  	[tilespmem:s20+$0x2820] =	vst v1;
	(pc) =	sbr.rel @p0 .LBB2_4-.Ltmp1, $4  }
0x39: {  	[tilespmem:s20+$0x2830] =	vst v1  }
0x3a: {  	[tilespmem:s20+$0x2840] =	vst v1  }
0x3b: {  	[tilespmem:s20+$0x2850] =	vst v1  }
0x3c: {  	[tilespmem:s20+$0x2860] =	vst v1;
	s20 =	sshra.s32 s21, $0x2;
	s21 =	sadd.s32 $0x200, s21  }
0x3d: {  	[tilespmem:s20+$0x2870] =	vst v1  }
0x3e: {  	[tilespmem:s20+$0x2800] =	vst v1  }
0x3f: {  	[tilespmem:s20+$0x2810] =	vst v1  }
0x40: {  	[tilespmem:s20+$0x2820] =	vst v1  }
0x41: {  	[tilespmem:s20+$0x2830] =	vst v1  }
0x42: {  	[tilespmem:s20+$0x2840] =	vst v1  }
0x43: {  	[tilespmem:s20+$0x2850] =	vst v1  }
0x44: {  	[tilespmem:s20+$0x2860] =	vst v1  }
0x45: {  	[tilespmem:s3], [sflag:$0x3] =	stream.linear.gather [hbm4b:s9+s3], $0x2800, $0x38;
	[tilespmem:$0x1A800] =	vst v63  }
0x46: {  	_ =	swait.ge [sflag:s13], $0x2800  }
0x47: {  	[sflag:s13] =	ssyncset.done $0x0  }
0x48: {  	[sflag:s13] =	ssyncadd.s32 $0xFFFFD800  }
0x49: {  	[bflag:$0x0] =	sbarrier.arrive $0xFFFF  }
0x4a: {  	[spmem:s2] =	stream.indirect.scatter.add.f32 [tilespmem:s12], [sflag:$0x1], $0x80, s3, s14, $0xb8;
	[tilespmem:$0x1A800] =	vst v63  }
0x4b: {  	_ = 	snop  }
0x4c: {  	[spmem:s2] =	stream.indirect.scatter.add.f32 [tilespmem:s12], [sflag:$0x2], $0x80, s14, s14, $0xb8;
	[tilespmem:$0x1A800] =	vst v63  }
0x4d: {  	_ =	swait.ge [sflag:s15], $0x4000  }
0x4e: {  	[sflag:s15] =	ssyncset.done $0x0  }
0x4f: {  	s31 =	simm.s32 $0x100;
	[sflag:s15] =	ssyncadd.s32 $0xFFFFC000  }
0x50: {  	[spmem:s2] =	stream.indirect.scatter.add.f32 [tilespmem:s12], [sflag:$0x1], $0x80, s31, s14, $0xb8;
	[tilespmem:$0x1A800] =	vst v63  }
0x51: {  	_ =	swait.ge [sflag:s16], $0x4000  }
0x52: {  	[sflag:s16] =	ssyncset.done $0x0  }
0x53: {  	s20 =	simm.s32 $0xFFFF6800;
	s21 =	simm.s32 $0x180;
	[sflag:s16] =	ssyncadd.s32 $0xFFFFC000  }
.LBB2_6:
0x54: {  	[spmem:s2] =	stream.indirect.scatter.add.f32 [tilespmem:s12], [sflag:$0x2], $0x80, s21, s14, $0xb8;
	[tilespmem:$0x1A800] =	vst v63  }
0x55: {  	s21 =	smov.u32 s20  }
0x56: {  	p0 =	sne.s32 s20, $0xFFFFFC00;
	s20 =	sadd.s32 $0x400, s20;
	_ =	swait.ge [sflag:s15], $0x4000  }
0x57: {  	s21 =	sshra.s32 s21, $0x2;
	[sflag:s15] =	ssyncset.done $0x0  }
.Ltmp2:
0x58: {  	s22 =	sadd.s32 $0x2800, s21;
	[sflag:s15] =	ssyncadd.s32 $0xFFFFC000;
	(pc) =	sbr.rel @p0 .LBB2_6-.Ltmp2, $4  }
0x59: {  	[spmem:s2] =	stream.indirect.scatter.add.f32 [tilespmem:s12], [sflag:$0x1], $0x80, s22, s14, $0xb8;
	[tilespmem:$0x1A800] =	vst v63  }
0x5a: {  	_ =	swait.ge [sflag:s16], $0x4000  }
0x5b: {  	[sflag:s16] =	ssyncset.done $0x0  }
0x5c: {  	s21 =	sadd.s32 $0x2880, s21;
	[sflag:s16] =	ssyncadd.s32 $0xFFFFC000  }
0x5d: {  	[spmem:s2] =	stream.indirect.scatter.add.f32 [tilespmem:s12], [sflag:$0x2], $0x80, s21, s14, $0xb8;
	[tilespmem:$0x1A800] =	vst v63  }
0x5e: {  	_ =	swait.ge [sflag:s15], $0x4000  }
0x5f: {  	[sflag:s15] =	ssyncset.done $0x0  }
0x60: {  	[sflag:s15] =	ssyncadd.s32 $0xFFFFC000  }
0x61: {  	_ =	swait.ge [sflag:s16], $0x4000  }
0x62: {  	s19 =	sadd.s32 $0x1, s19;
	[sflag:s16] =	ssyncset.done $0x0  }
0x63: {  	p0 =	sne.s32 s19, s11;
	[sflag:s16] =	ssyncadd.s32 $0xFFFFC000  }
.Ltmp3:
0x64: {  	[bflag:$0x0] =	sbarrier.arrive $0xFFFF;
	(pc) =	sbr.rel @p0 .LBB2_1-.Ltmp3, $4  }
0x65: {  	[hbm:s10], [sflag:s17] =	dma.local [spmem:s18], $0x2800  }
0x66: {  	_ =	swait.ge [sflag:s13], $0x2800  }
0x67: {  	[sflag:s13] =	ssyncset.done $0x0  }
0x68: {  	[sflag:s13] =	ssyncadd.s32 $0xFFFFD800  }
0x69: {  	_ =	sfence.sel $0x180000  }
0x6a: {  	[bflag:$0x0] =	sbarrier.arrive $0xFFFF  }
0x6b: {  	p0 =	sne.s32 s0, $0x0;
	_ =	strace $0x90000047  }
0x6c: {  	s0 =	sadd.s32 @!p0 $0x100000, s1;
	[bflag:$0x2] =	sbarrier.arrive $0xFFFF  }
0x6d: {  	[sflag:s0] =	ssyncadd.tile.s32 @!p0 $0x1;
	_ =	shalt  }
.Lfunc_end2:
_tile_overlayer_lowered:
.L_overlay_start_2:
0x6e: {  	(tag) =	ssettag $0x2  }
0x6f: {  	s0 =	rddreg [dreg:$0x0];
	s2 =	stileid.u32  }
0x70: {  	s1 =	rddreg [dreg:$0x1];
	p0 =	sne.s32 s2, $0x0  }
0x71: {  	s3 =	rddreg [dreg:$0x2];
	[bflag:$0x3] =	sbarrier.arrive $0xFFFF;
	s2 =	simm.s32 @!p0 $0x1C03  }
0x72: {  	[timem:s3], [sflag:s2] =	dma.local @!p0 [hbm:s0], s1  }
0x73: {  	s0 =	simm.s32 @!p0 $0x3  }
0x74: {  	_ =	swait.ge @!p0 [sflag:s0], s1  }
0x75: {  	s1 =	ssub.s32 @!p0 $0x0, s1;
	[sflag:s0] =	ssyncset.done @!p0 $0x0  }
0x76: {  	[sflag:s0] =	ssyncadd.s32 @!p0 s1  }
0x77: {  	[bflag:$0x3] =	sbarrier.arrive $0xFFFF  }
0x78: {  	_ =	shalt  }

</sc_bundles>
